<compile_context>
chip_gen: v7x
topology: tpu7x:2x2x1
jax: 0.10.2.dev20260603
libtpu: 0.0.44.dev20260713+nightly
codegen_flags: <defaults>
</compile_context>

<pallas_src>
import functools

import jax
import jax.numpy as jnp
from jax import lax
from jax.experimental import pallas as pl
from jax.experimental.pallas import tpu as pltpu
from jax.experimental.pallas import tpu_sc as plsc

B, H, L, D, S = 4, 8, 2048, 32, 512
_NBH = B * H


def _metrics_body(cs_ref, cn_ref, c_ref, met_ref):
    cc = jnp.maximum(cn_ref[0], 0.01)
    c = cs_ref[0] / cc
    c_ref[0] = c
    c2col = jnp.sum(c * c, axis=1, keepdims=True)
    c_norms = jnp.maximum(jnp.sqrt(c2col), 0.01)
    cnrm = c / c_norms
    sims = lax.dot_general(cnrm, cnrm, (((1,), (1,)), ((), ())),
                           preferred_element_type=jnp.float32)
    dotsc = lax.dot_general(c, c, (((1,), (1,)), ((), ())),
                            preferred_element_type=jnp.float32)
    ones8 = jnp.ones((8, D), jnp.float32)
    c2row = lax.dot_general(ones8, c * c, (((1,), (1,)), ((), ())),
                            precision=lax.Precision.HIGHEST)[0:1, :]
    d2 = c2col - 2.0 * dotsc + c2row
    dists = jnp.sqrt(jnp.maximum(d2, 0.0))
    ii = lax.broadcasted_iota(jnp.int32, (S, S), 0)
    jj = lax.broadcasted_iota(jnp.int32, (S, S), 1)
    lowm = jj < ii
    inv_pairs = jnp.float32(1.0 / (S * (S - 1) // 2))
    big = jnp.float32(1e30)
    inv_h = jnp.float32(1.0 / H)
    inv_s = jnp.float32(1.0 / S)
    probs = cc / jnp.sum(cc)
    zero = jnp.float32(0.0)
    met_ref[0, 0] = jnp.stack([
        zero,
        inv_h * jnp.max(jnp.where(lowm, dists, -big)),
        inv_h * inv_pairs * jnp.sum(jnp.where(lowm, dists, 0.0)),
        inv_h * jnp.min(jnp.where(lowm, dists, big)),
        inv_h * jnp.sum(-probs * jnp.log(probs)),
        inv_h * jnp.max(c_norms),
        inv_h * inv_s * jnp.sum(c_norms),
        inv_h * jnp.min(c_norms),
        inv_h * jnp.max(jnp.where(lowm, sims, -big)),
        inv_h * inv_pairs * jnp.sum(jnp.where(lowm, sims, 0.0)),
        inv_h * jnp.min(jnp.where(lowm, sims, big)),
        inv_h * jnp.sum(jnp.where((cc < 1.0) | (cc > 1e6), 1.0, 0.0)),
        inv_h * jnp.max(cc),
        inv_h * inv_s * jnp.sum(cc),
        inv_h * jnp.min(cc),
        zero, zero, zero, zero, zero,
        zero, zero, zero, zero, zero, zero, zero, zero, zero, zero, zero, zero])


def _main_body(c_ref, v_ref, lm_ref, z_ref, zf_ref, e2_ref, st_ref):
    i = pl.program_id(0)
    h = lax.div(i, B)
    v = v_ref[0]
    c = c_ref[0]
    v2 = jnp.sum(v * v, axis=1, keepdims=True)
    ones8 = jnp.ones((8, D), jnp.float32)
    c2row = lax.dot_general(ones8, c * c, (((1,), (1,)), ((), ())),
                            precision=lax.Precision.HIGHEST)[0:1, :]
    dots = lax.dot_general(v, c, (((1,), (1,)), ((), ())),
                           preferred_element_type=jnp.float32)
    diffs2 = v2 - 2.0 * dots + c2row
    m = jnp.min(diffs2, axis=1, keepdims=True)
    hit = diffs2 == m
    iota = lax.broadcasted_iota(jnp.int32, (L, S), 1)
    z2 = jnp.min(jnp.where(hit, iota, S), axis=1, keepdims=True)
    errs2 = jnp.maximum(m, 0.0)
    hitf = jnp.where(hit, 1.0, 0.0)
    ones8l = jnp.ones((8, L), jnp.float32)
    cnt = lax.dot_general(ones8l, hitf, (((1,), (0,)), ((), ())),
                          preferred_element_type=jnp.float32)[0:1, :]
    vhnrow = jnp.maximum(jnp.sqrt(c2row), 0.01)
    vhn_sum = jnp.sum(cnt * vhnrow)
    lw = L // 128
    z16 = z2.reshape(lw, 128)
    e16 = errs2.reshape(lw, 128)
    v216 = v2.reshape(lw, 128)
    vn = jnp.maximum(jnp.sqrt(v216), 0.01)
    rel = jnp.clip(jnp.sqrt(e16) / vn, 0.0, 10.0)
    lm = lm_ref[0]
    commit = jnp.sum(lm * e16)
    zero = jnp.float32(0.0)
    inv_bh = jnp.float32(1.0 / _NBH)
    inv_bhl = jnp.float32(1.0 / (_NBH * L))
    st_ref[0, 0] = jnp.stack([
        commit * jnp.float32(1.0 / (B * L)),
        zero, zero, zero, zero, zero, zero, zero, zero, zero, zero,
        zero, zero, zero, zero,
        inv_bh * jnp.max(rel),
        inv_bhl * jnp.sum(rel),
        inv_bh * jnp.min(rel),
        inv_bhl * vhn_sum,
        inv_bhl * jnp.sum(vn),
        zero, zero, zero, zero, zero, zero, zero, zero, zero, zero, zero, zero])
    z_ref[0] = z16
    zf_ref[0] = z16 + S * h
    e2_ref[0] = e16


def _finalize_body(met_ref, st_ref, fin_ref):
    fin_ref[...] = (jnp.sum(met_ref[:, 0, :], axis=0, keepdims=True)
                  + jnp.sum(st_ref[:, 0, :], axis=0, keepdims=True))


def _sc_gather(table, idx2d, n_ch_per_w, per_w, n_rows):
    info = plsc.get_sparse_core_info()
    nc = info.num_cores
    d = table.shape[1]
    ch = idx2d.shape[1]
    mesh = plsc.VectorSubcoreMesh(core_axis_name="c", subcore_axis_name="s")

    @functools.partial(
        pl.kernel, mesh=mesh,
        out_type=jax.ShapeDtypeStruct((n_rows, d), jnp.float32),
        scratch_types=[
            pltpu.VMEM((n_ch_per_w, ch), jnp.int32),
            pltpu.VMEM((per_w, d), jnp.float32),
            pltpu.SemaphoreType.DMA,
        ],
        compiler_params=pltpu.CompilerParams(use_tc_tiling_on_sc=False),
    )
    def k(table_hbm, idx_hbm, out_hbm, idx_v, rows_v, sem):
        wid = lax.axis_index("s") * nc + lax.axis_index("c")
        pltpu.sync_copy(idx_hbm.at[pl.ds(wid * n_ch_per_w, n_ch_per_w)], idx_v)
        copies = []
        for j in range(n_ch_per_w):
            copies.append(pltpu.async_copy(
                table_hbm.at[idx_v.at[j]], rows_v.at[pl.ds(j * ch, ch)], sem))
        for cp in copies:
            cp.wait()
        pltpu.sync_copy(rows_v, out_hbm.at[pl.ds(wid * per_w, per_w)])

    return k(table, idx2d)


def kernel(vecs, loss_mask, c_sum, c_count, n_device, n_block_per_update):
    del n_device, n_block_per_update
    vf = vecs.reshape(_NBH, L, D)
    lm3 = loss_mask.reshape(B, L // 128, 128)
    cc3 = c_count.reshape(H, S, 1)

    c, met_h = pl.pallas_call(
        _metrics_body,
        grid=(H,),
        in_specs=[pl.BlockSpec((1, S, D), lambda i: (i, 0, 0)),
                  pl.BlockSpec((1, S, 1), lambda i: (i, 0, 0))],
        out_specs=[pl.BlockSpec((1, S, D), lambda i: (i, 0, 0)),
                   pl.BlockSpec((1, 1, 32), lambda i: (i, 0, 0))],
        out_shape=[jax.ShapeDtypeStruct((H, S, D), jnp.float32),
                   jax.ShapeDtypeStruct((H, 1, 32), jnp.float32)],
        compiler_params=pltpu.CompilerParams(
            dimension_semantics=("parallel",)),
    )(c_sum, cc3)

    z3, zf3, e23, st3 = pl.pallas_call(
        _main_body,
        grid=(_NBH,),
        in_specs=[pl.BlockSpec((1, S, D), lambda i: (i // B, 0, 0)),
                  pl.BlockSpec((1, L, D), lambda i: ((i % B) * H + i // B, 0, 0)),
                  pl.BlockSpec((1, L // 128, 128), lambda i: (i % B, 0, 0))],
        out_specs=[pl.BlockSpec((1, L // 128, 128),
                                lambda i: ((i % B) * H + i // B, 0, 0)),
                   pl.BlockSpec((1, L // 128, 128),
                                lambda i: ((i % B) * H + i // B, 0, 0)),
                   pl.BlockSpec((1, L // 128, 128),
                                lambda i: ((i % B) * H + i // B, 0, 0)),
                   pl.BlockSpec((1, 1, 32),
                                lambda i: ((i % B) * H + i // B, 0, 0))],
        out_shape=[jax.ShapeDtypeStruct((_NBH, L // 128, 128), jnp.int32),
                   jax.ShapeDtypeStruct((_NBH, L // 128, 128), jnp.int32),
                   jax.ShapeDtypeStruct((_NBH, L // 128, 128), jnp.float32),
                   jax.ShapeDtypeStruct((_NBH, 1, 32), jnp.float32)],
        compiler_params=pltpu.CompilerParams(
            dimension_semantics=("parallel",)),
    )(c, vf, lm3)

    fin = pl.pallas_call(
        _finalize_body,
        in_specs=[pl.BlockSpec((H, 1, 32), lambda: (0, 0, 0)),
                  pl.BlockSpec((_NBH, 1, 32), lambda: (0, 0, 0))],
        out_specs=pl.BlockSpec((1, 32), lambda: (0, 0)),
        out_shape=jax.ShapeDtypeStruct((1, 32), jnp.float32),
    )(met_h, st3)

    n_rows = _NBH * L
    nw = 32
    per_w = n_rows // nw
    ch = 128
    n_ch_per_w = per_w // ch
    idx2d = zf3.reshape(n_rows // ch, ch)
    vhat = _sc_gather(c.reshape(H * S, D), idx2d, n_ch_per_w, per_w, n_rows)

    vecs_hat = vhat.reshape(B, H, L, D)
    z = z3.reshape(B, H, L)
    errs2 = e23.reshape(B, H, L)
    l_commit = fin[0, 0]
    l_codebook = jnp.zeros((), jnp.float32)
    metrics = fin[0, 1:20]
    return (vecs_hat, z, l_commit, l_codebook, errs2, metrics)

# --- scband reference (transcript-rebuilt; emitter-appended) ---
"""Pipeline reference for scband-learnable-vq-13271448944640 (READ-ONLY COPY).

The authoritative reference and input builder live on the scoring server;
editing this copy changes nothing except your own understanding.
"""

import jax, jax.numpy as jnp
import jax.scipy as jsp
import numpy as np

sg = jax.lax.stop_gradient

def st(x):
    return x - sg(x)

B, H, L, D, S = 4, 8, 2048, 32, 512
C_GAMMA = 0.99

def setup_inputs(seed: int = 0):
    key = jax.random.key(seed)
    k1, k2 = jax.random.split(key)
    vecs = jax.random.normal(k1, (B, H, L, D), dtype=jnp.float32)
    loss_mask = jnp.ones((B, L), dtype=jnp.float32)
    c_sum = 0.02 * jax.random.normal(k2, (H, S, D), dtype=jnp.float32)
    c_count = jnp.ones((H, S), dtype=jnp.float32)
    n_device = jnp.ones((1,), dtype=jnp.int32)
    n_block_per_update = jnp.ones((1,), dtype=jnp.int32)
    return dict(vecs=vecs, loss_mask=loss_mask, c_sum=c_sum, c_count=c_count,
                n_device=n_device, n_block_per_update=n_block_per_update)

def _get_codebook(c_sum, c_count):
    c = c_sum / jnp.maximum(c_count[..., None], 0.01)
    return sg(c)

def get_shortcodes(vecs, codebook):
    diffs2 = (jnp.expand_dims(jnp.sum(jnp.square(vecs), axis=-1), -1)
              - 2.0 * jnp.einsum('bhlk,hsk->bhls', vecs, codebook)
              + jnp.expand_dims(jnp.sum(jnp.square(codebook), axis=-1), (0, 2)))
    z = jnp.argmin(diffs2, axis=-1)
    errs2 = jax.nn.relu(jnp.min(diffs2, axis=-1))
    return z.astype(jnp.int32), errs2

def get_codewords(shortcodes, codebook):
    return jnp.take_along_axis(codebook[None, ...], shortcodes[..., None], axis=2)

def _quant_metrics(vecs, vecs_hat, errs2, c_sum, c_count):
    n_head, n_code = c_count.shape
    eps, errmin, errmax, maskval = 0.01, 0.0, 10.0, 1e30
    c_count = jnp.maximum(c_count, eps)
    c = c_sum / c_count[..., None]
    c_norms = jnp.maximum(jnp.linalg.norm(c, axis=-1), eps)
    c_normed = c / c_norms[..., None]
    c_sims = jnp.einsum('hsd,hzd->hsz', c_normed, c_normed)
    c_dists = jnp.linalg.norm(jnp.expand_dims(c, 2) - jnp.expand_dims(c, 1), axis=-1)
    vec_norms = jnp.maximum(jnp.linalg.norm(vecs, axis=-1), eps)
    vec_hat_norms = jnp.maximum(jnp.linalg.norm(vecs_hat, axis=-1), eps)
    errs = jnp.sqrt(errs2)
    relative_errs = jnp.clip(errs / vec_norms, errmin, errmax)
    probs = c_count / jnp.sum(c_count, axis=-1)[..., None]
    c_thresh_oob = jnp.logical_or(c_count < 1.0, 1000000 < c_count).astype(jnp.float32)
    ones = jnp.ones([1, n_code, n_code], dtype=jnp.float32)
    up = jnp.triu(ones)
    low = jnp.tril(ones, k=-1)
    metrics = dict(
        c_sim_min=jnp.min(low * c_sims + maskval * up, axis=(1, 2)),
        c_sim_mean=jnp.sum(low * c_sims, axis=(1, 2)) / jnp.sum(low, axis=(1, 2)),
        c_sim_max=jnp.max(low * c_sims - maskval * up, axis=(1, 2)),
        c_dist_min=jnp.min(low * c_dists + maskval * up, axis=(1, 2)),
        c_dist_mean=jnp.sum(low * c_dists, axis=(1, 2)) / jnp.sum(low, axis=(1, 2)),
        c_dist_max=jnp.max(low * c_dists - maskval * up, axis=(1, 2)),
        c_norm_min=jnp.min(c_norms, axis=1),
        c_norm_mean=jnp.mean(c_norms, axis=1),
        c_norm_max=jnp.max(c_norms, axis=1),
        c_usage_min=jnp.min(c_count, axis=1),
        c_usage_mean=jnp.mean(c_count, axis=1),
        c_usage_max=jnp.max(c_count, axis=1),
        c_thresh_oob=jnp.sum(c_thresh_oob, axis=1),
        c_entropy=jnp.sum(jsp.special.entr(probs), axis=-1),
        vec_norm_mean=jnp.mean(vec_norms, axis=2),
        vec_hat_norm_mean=jnp.mean(vec_hat_norms, axis=2),
        relative_err_min=jnp.min(relative_errs, axis=2),
        relative_err_mean=jnp.mean(relative_errs, axis=2),
        relative_err_max=jnp.max(relative_errs, axis=2),
    )
    vals = [jnp.mean(sg(metrics[k])).astype(jnp.float32) for k in sorted(metrics)]
    return jnp.stack(vals)

def reference(vecs, loss_mask, c_sum, c_count, n_device, n_block_per_update):
    c = _get_codebook(c_sum, c_count)
    z, errs2 = get_shortcodes(vecs, c)
    cz = get_codewords(z, c)
    vecs_hat = sg(cz) + st(vecs)
    # commitment loss
    l_commit = jnp.mean(jnp.sum(jnp.expand_dims(loss_mask, 1) * errs2, axis=1))
    # codebook (EMA-target) loss
    n_code = c_sum.shape[1]
    r = jax.nn.one_hot(z, num_classes=n_code, dtype=vecs.dtype)
    r = r * jnp.expand_dims(jnp.expand_dims(loss_mask, 1), -1)
    d = n_device.astype(vecs.dtype)
    p = n_block_per_update.astype(vecs.dtype)
    c_sum_hat = d * p * jnp.einsum('bhts,bhtd->hsd', r, vecs)
    c_count_hat = d * p * jnp.sum(r, axis=(0, 2))
    c_sum_tgt = (1.0 - C_GAMMA) * c_sum_hat + C_GAMMA * c_sum
    c_count_tgt = (1.0 - C_GAMMA) * c_count_hat + C_GAMMA * c_count
    l_codebook = (jnp.sum(sg(c_count - c_count_tgt) * st(c_count))
                  + jnp.sum(sg(c_sum - c_sum_tgt) * st(c_sum)))
    metrics = _quant_metrics(sg(vecs), sg(vecs_hat), sg(errs2), sg(c_sum), sg(c_count))
    return (vecs_hat, z, l_commit, l_codebook, errs2, metrics)

if False:  # reference __main__ guard neutralized (emitter)
    out = reference(**setup_inputs())
    print([getattr(o, 'shape', None) for o in out])

if __name__ == "__main__":
    import jax
    _d = setup_inputs()
    print(jax.jit(kernel)(*tuple(_d.values())))

</pallas_src>

<mosaic_0001>
#map = affine_map<(d0, d1) -> (0, 0)>
module attributes {stable_mosaic.version = 14 : i64} {
  func.func @k(%arg0: i32, %arg1: i32, %arg2: memref<4096x32xf32, #tpu.memory_space<hbm>>, %arg3: memref<512x128xi32, #tpu.memory_space<hbm>>, %arg4: memref<65536x32xf32, #tpu.memory_space<hbm>>, %arg5: memref<16x128xi32, #tpu.memory_space<vmem>>, %arg6: memref<2048x32xf32, #tpu.memory_space<vmem>>, %arg7: memref<!tpu.dma_semaphore, #tpu.memory_space<semaphore_mem>>) attributes {dimension_semantics = [#tpu.dimension_semantics<core_parallel>, #tpu.dimension_semantics<subcore_parallel>], iteration_bounds = array<i64: 2, 16>, scalar_prefetch = 0 : i64, scratch_operands = 3 : i64, tpu.core_type = #tpu.core_type<sc_vector_subcore>, window_params = [{transform_indices = #map}, {transform_indices = #map}, {transform_indices = #map}]} {
    %mul3A = arith.constant 2 : i32
    %mul3A_0 = arith.muli %arg1, %mul3A : i32
    %add3A = arith.addi %mul3A_0, %arg0 : i32
    %mul3A_1 = arith.constant 16 : i32
    %mul3A_2 = arith.muli %add3A, %mul3A_1 : i32
    "tpu.region"() ({
      %run_scoped3A = tpu.sem_alloc : memref<!tpu.dma_semaphore, #tpu.memory_space<semaphore_mem>>
      %dma_start3A_323 = arith.constant 0 : i32
      %dma_start3A_324 = tpu.memref_slice %arg3[%mul3A_2, %dma_start3A_323] : memref<512x128xi32, #tpu.memory_space<hbm>> -> memref<16x128xi32, #tpu.memory_space<hbm>>
      %dma_start3A_325 = arith.constant 0 : i32
      %dma_start3A_326 = tpu.memref_slice %arg3[%mul3A_2, %dma_start3A_325] : memref<512x128xi32, #tpu.memory_space<hbm>> -> memref<16x128xi32, #tpu.memory_space<hbm>>
      tpu.enqueue_dma source(%dma_start3A_326 : memref<16x128xi32, #tpu.memory_space<hbm>>) target(%arg5 : memref<16x128xi32, #tpu.memory_space<vmem>>) target_semaphore(%run_scoped3A : memref<!tpu.dma_semaphore, #tpu.memory_space<semaphore_mem>>)
      %dma_wait3A_327 = arith.constant 0 : i32
      %dma_wait3A_328 = tpu.memref_slice %arg3[%mul3A_2, %dma_wait3A_327] : memref<512x128xi32, #tpu.memory_space<hbm>> -> memref<16x128xi32, #tpu.memory_space<hbm>>
      %dma_wait3A_329 = arith.constant 0 : i32
      %dma_wait3A_330 = tpu.memref_slice %arg3[%mul3A_2, %dma_wait3A_329] : memref<512x128xi32, #tpu.memory_space<hbm>> -> memref<16x128xi32, #tpu.memory_space<hbm>>
      tpu.wait_dma2 semaphore(%run_scoped3A : memref<!tpu.dma_semaphore, #tpu.memory_space<semaphore_mem>>) src(%dma_wait3A_330 : memref<16x128xi32, #tpu.memory_space<hbm>>) dst(%arg5 : memref<16x128xi32, #tpu.memory_space<vmem>>)
      tpu.yield
    }) : () -> ()
    %dma_start3A = arith.constant 0 : i32
    %dma_start3A_3 = arith.constant 0 : i32
    %dma_start3A_4 = arith.constant 0 : i32
    %dma_start3A_5 = tpu.memref_slice %arg6[%dma_start3A_3, %dma_start3A_4] : memref<2048x32xf32, #tpu.memory_space<vmem>> -> memref<128x32xf32, #tpu.memory_space<vmem>>
    %dma_start3A_6 = arith.constant 0 : i32
    %dma_start3A_7 = tpu.memref_slice %arg5[%dma_start3A, %dma_start3A_6] : memref<16x128xi32, #tpu.memory_space<vmem>> -> memref<1x128xi32, #tpu.memory_space<vmem>>
    %dma_start3A_8 = tpu.memref_squeeze %dma_start3A_7 : memref<1x128xi32, #tpu.memory_space<vmem>> -> memref<128xi32, #tpu.memory_space<vmem>>
    %dma_start3A_9 = arith.constant 0 : i32
    %dma_start3A_10 = arith.constant 0 : i32
    %dma_start3A_11 = tpu.memref_slice %arg2[%dma_start3A_9, %dma_start3A_10] : memref<4096x32xf32, #tpu.memory_space<hbm>> -> memref<4096x32xf32, #tpu.memory_space<hbm>>
    tpu.enqueue_indirect_dma source(%dma_start3A_11 : memref<4096x32xf32, #tpu.memory_space<hbm>>) target(%dma_start3A_5 : memref<128x32xf32, #tpu.memory_space<vmem>>) offsets(%dma_start3A_8 : memref<128xi32, #tpu.memory_space<vmem>>) semaphore(%arg7 : memref<!tpu.dma_semaphore, #tpu.memory_space<semaphore_mem>>)
    %dma_start3A_12 = arith.constant 1 : i32
    %dma_start3A_13 = arith.constant 128 : i32
    %dma_start3A_14 = arith.constant 0 : i32
    %dma_start3A_15 = tpu.memref_slice %arg6[%dma_start3A_13, %dma_start3A_14] : memref<2048x32xf32, #tpu.memory_space<vmem>> -> memref<128x32xf32, #tpu.memory_space<vmem>>
    %dma_start3A_16 = arith.constant 0 : i32
    %dma_start3A_17 = tpu.memref_slice %arg5[%dma_start3A_12, %dma_start3A_16] : memref<16x128xi32, #tpu.memory_space<vmem>> -> memref<1x128xi32, #tpu.memory_space<vmem>>
    %dma_start3A_18 = tpu.memref_squeeze %dma_start3A_17 : memref<1x128xi32, #tpu.memory_space<vmem>> -> memref<128xi32, #tpu.memory_space<vmem>>
    %dma_start3A_19 = arith.constant 0 : i32
    %dma_start3A_20 = arith.constant 0 : i32
    %dma_start3A_21 = tpu.memref_slice %arg2[%dma_start3A_19, %dma_start3A_20] : memref<4096x32xf32, #tpu.memory_space<hbm>> -> memref<4096x32xf32, #tpu.memory_space<hbm>>
    tpu.enqueue_indirect_dma source(%dma_start3A_21 : memref<4096x32xf32, #tpu.memory_space<hbm>>) target(%dma_start3A_15 : memref<128x32xf32, #tpu.memory_space<vmem>>) offsets(%dma_start3A_18 : memref<128xi32, #tpu.memory_space<vmem>>) semaphore(%arg7 : memref<!tpu.dma_semaphore, #tpu.memory_space<semaphore_mem>>)
    %dma_start3A_22 = arith.constant 2 : i32
    %dma_start3A_23 = arith.constant 256 : i32
    %dma_start3A_24 = arith.constant 0 : i32
    %dma_start3A_25 = tpu.memref_slice %arg6[%dma_start3A_23, %dma_start3A_24] : memref<2048x32xf32, #tpu.memory_space<vmem>> -> memref<128x32xf32, #tpu.memory_space<vmem>>
    %dma_start3A_26 = arith.constant 0 : i32
    %dma_start3A_27 = tpu.memref_slice %arg5[%dma_start3A_22, %dma_start3A_26] : memref<16x128xi32, #tpu.memory_space<vmem>> -> memref<1x128xi32, #tpu.memory_space<vmem>>
    %dma_start3A_28 = tpu.memref_squeeze %dma_start3A_27 : memref<1x128xi32, #tpu.memory_space<vmem>> -> memref<128xi32, #tpu.memory_space<vmem>>
    %dma_start3A_29 = arith.constant 0 : i32
    %dma_start3A_30 = arith.constant 0 : i32
    %dma_start3A_31 = tpu.memref_slice %arg2[%dma_start3A_29, %dma_start3A_30] : memref<4096x32xf32, #tpu.memory_space<hbm>> -> memref<4096x32xf32, #tpu.memory_space<hbm>>
    tpu.enqueue_indirect_dma source(%dma_start3A_31 : memref<4096x32xf32, #tpu.memory_space<hbm>>) target(%dma_start3A_25 : memref<128x32xf32, #tpu.memory_space<vmem>>) offsets(%dma_start3A_28 : memref<128xi32, #tpu.memory_space<vmem>>) semaphore(%arg7 : memref<!tpu.dma_semaphore, #tpu.memory_space<semaphore_mem>>)
    %dma_start3A_32 = arith.constant 3 : i32
    %dma_start3A_33 = arith.constant 384 : i32
    %dma_start3A_34 = arith.constant 0 : i32
    %dma_start3A_35 = tpu.memref_slice %arg6[%dma_start3A_33, %dma_start3A_34] : memref<2048x32xf32, #tpu.memory_space<vmem>> -> memref<128x32xf32, #tpu.memory_space<vmem>>
    %dma_start3A_36 = arith.constant 0 : i32
    %dma_start3A_37 = tpu.memref_slice %arg5[%dma_start3A_32, %dma_start3A_36] : memref<16x128xi32, #tpu.memory_space<vmem>> -> memref<1x128xi32, #tpu.memory_space<vmem>>
    %dma_start3A_38 = tpu.memref_squeeze %dma_start3A_37 : memref<1x128xi32, #tpu.memory_space<vmem>> -> memref<128xi32, #tpu.memory_space<vmem>>
    %dma_start3A_39 = arith.constant 0 : i32
    %dma_start3A_40 = arith.constant 0 : i32
    %dma_start3A_41 = tpu.memref_slice %arg2[%dma_start3A_39, %dma_start3A_40] : memref<4096x32xf32, #tpu.memory_space<hbm>> -> memref<4096x32xf32, #tpu.memory_space<hbm>>
    tpu.enqueue_indirect_dma source(%dma_start3A_41 : memref<4096x32xf32, #tpu.memory_space<hbm>>) target(%dma_start3A_35 : memref<128x32xf32, #tpu.memory_space<vmem>>) offsets(%dma_start3A_38 : memref<128xi32, #tpu.memory_space<vmem>>) semaphore(%arg7 : memref<!tpu.dma_semaphore, #tpu.memory_space<semaphore_mem>>)
    %dma_start3A_42 = arith.constant 4 : i32
    %dma_start3A_43 = arith.constant 512 : i32
    %dma_start3A_44 = arith.constant 0 : i32
    %dma_start3A_45 = tpu.memref_slice %arg6[%dma_start3A_43, %dma_start3A_44] : memref<2048x32xf32, #tpu.memory_space<vmem>> -> memref<128x32xf32, #tpu.memory_space<vmem>>
    %dma_start3A_46 = arith.constant 0 : i32
    %dma_start3A_47 = tpu.memref_slice %arg5[%dma_start3A_42, %dma_start3A_46] : memref<16x128xi32, #tpu.memory_space<vmem>> -> memref<1x128xi32, #tpu.memory_space<vmem>>
    %dma_start3A_48 = tpu.memref_squeeze %dma_start3A_47 : memref<1x128xi32, #tpu.memory_space<vmem>> -> memref<128xi32, #tpu.memory_space<vmem>>
    %dma_start3A_49 = arith.constant 0 : i32
    %dma_start3A_50 = arith.constant 0 : i32
    %dma_start3A_51 = tpu.memref_slice %arg2[%dma_start3A_49, %dma_start3A_50] : memref<4096x32xf32, #tpu.memory_space<hbm>> -> memref<4096x32xf32, #tpu.memory_space<hbm>>
    tpu.enqueue_indirect_dma source(%dma_start3A_51 : memref<4096x32xf32, #tpu.memory_space<hbm>>) target(%dma_start3A_45 : memref<128x32xf32, #tpu.memory_space<vmem>>) offsets(%dma_start3A_48 : memref<128xi32, #tpu.memory_space<vmem>>) semaphore(%arg7 : memref<!tpu.dma_semaphore, #tpu.memory_space<semaphore_mem>>)
    %dma_start3A_52 = arith.constant 5 : i32
    %dma_start3A_53 = arith.constant 640 : i32
    %dma_start3A_54 = arith.constant 0 : i32
    %dma_start3A_55 = tpu.memref_slice %arg6[%dma_start3A_53, %dma_start3A_54] : memref<2048x32xf32, #tpu.memory_space<vmem>> -> memref<128x32xf32, #tpu.memory_space<vmem>>
    %dma_start3A_56 = arith.constant 0 : i32
    %dma_start3A_57 = tpu.memref_slice %arg5[%dma_start3A_52, %dma_start3A_56] : memref<16x128xi32, #tpu.memory_space<vmem>> -> memref<1x128xi32, #tpu.memory_space<vmem>>
    %dma_start3A_58 = tpu.memref_squeeze %dma_start3A_57 : memref<1x128xi32, #tpu.memory_space<vmem>> -> memref<128xi32, #tpu.memory_space<vmem>>
    %dma_start3A_59 = arith.constant 0 : i32
    %dma_start3A_60 = arith.constant 0 : i32
    %dma_start3A_61 = tpu.memref_slice %arg2[%dma_start3A_59, %dma_start3A_60] : memref<4096x32xf32, #tpu.memory_space<hbm>> -> memref<4096x32xf32, #tpu.memory_space<hbm>>
    tpu.enqueue_indirect_dma source(%dma_start3A_61 : memref<4096x32xf32, #tpu.memory_space<hbm>>) target(%dma_start3A_55 : memref<128x32xf32, #tpu.memory_space<vmem>>) offsets(%dma_start3A_58 : memref<128xi32, #tpu.memory_space<vmem>>) semaphore(%arg7 : memref<!tpu.dma_semaphore, #tpu.memory_space<semaphore_mem>>)
    %dma_start3A_62 = arith.constant 6 : i32
    %dma_start3A_63 = arith.constant 768 : i32
    %dma_start3A_64 = arith.constant 0 : i32
    %dma_start3A_65 = tpu.memref_slice %arg6[%dma_start3A_63, %dma_start3A_64] : memref<2048x32xf32, #tpu.memory_space<vmem>> -> memref<128x32xf32, #tpu.memory_space<vmem>>
    %dma_start3A_66 = arith.constant 0 : i32
    %dma_start3A_67 = tpu.memref_slice %arg5[%dma_start3A_62, %dma_start3A_66] : memref<16x128xi32, #tpu.memory_space<vmem>> -> memref<1x128xi32, #tpu.memory_space<vmem>>
    %dma_start3A_68 = tpu.memref_squeeze %dma_start3A_67 : memref<1x128xi32, #tpu.memory_space<vmem>> -> memref<128xi32, #tpu.memory_space<vmem>>
    %dma_start3A_69 = arith.constant 0 : i32
    %dma_start3A_70 = arith.constant 0 : i32
    %dma_start3A_71 = tpu.memref_slice %arg2[%dma_start3A_69, %dma_start3A_70] : memref<4096x32xf32, #tpu.memory_space<hbm>> -> memref<4096x32xf32, #tpu.memory_space<hbm>>
    tpu.enqueue_indirect_dma source(%dma_start3A_71 : memref<4096x32xf32, #tpu.memory_space<hbm>>) target(%dma_start3A_65 : memref<128x32xf32, #tpu.memory_space<vmem>>) offsets(%dma_start3A_68 : memref<128xi32, #tpu.memory_space<vmem>>) semaphore(%arg7 : memref<!tpu.dma_semaphore, #tpu.memory_space<semaphore_mem>>)
    %dma_start3A_72 = arith.constant 7 : i32
    %dma_start3A_73 = arith.constant 896 : i32
    %dma_start3A_74 = arith.constant 0 : i32
    %dma_start3A_75 = tpu.memref_slice %arg6[%dma_start3A_73, %dma_start3A_74] : memref<2048x32xf32, #tpu.memory_space<vmem>> -> memref<128x32xf32, #tpu.memory_space<vmem>>
    %dma_start3A_76 = arith.constant 0 : i32
    %dma_start3A_77 = tpu.memref_slice %arg5[%dma_start3A_72, %dma_start3A_76] : memref<16x128xi32, #tpu.memory_space<vmem>> -> memref<1x128xi32, #tpu.memory_space<vmem>>
    %dma_start3A_78 = tpu.memref_squeeze %dma_start3A_77 : memref<1x128xi32, #tpu.memory_space<vmem>> -> memref<128xi32, #tpu.memory_space<vmem>>
    %dma_start3A_79 = arith.constant 0 : i32
    %dma_start3A_80 = arith.constant 0 : i32
    %dma_start3A_81 = tpu.memref_slice %arg2[%dma_start3A_79, %dma_start3A_80] : memref<4096x32xf32, #tpu.memory_space<hbm>> -> memref<4096x32xf32, #tpu.memory_space<hbm>>
    tpu.enqueue_indirect_dma source(%dma_start3A_81 : memref<4096x32xf32, #tpu.memory_space<hbm>>) target(%dma_start3A_75 : memref<128x32xf32, #tpu.memory_space<vmem>>) offsets(%dma_start3A_78 : memref<128xi32, #tpu.memory_space<vmem>>) semaphore(%arg7 : memref<!tpu.dma_semaphore, #tpu.memory_space<semaphore_mem>>)
    %dma_start3A_82 = arith.constant 8 : i32
    %dma_start3A_83 = arith.constant 1024 : i32
    %dma_start3A_84 = arith.constant 0 : i32
    %dma_start3A_85 = tpu.memref_slice %arg6[%dma_start3A_83, %dma_start3A_84] : memref<2048x32xf32, #tpu.memory_space<vmem>> -> memref<128x32xf32, #tpu.memory_space<vmem>>
    %dma_start3A_86 = arith.constant 0 : i32
    %dma_start3A_87 = tpu.memref_slice %arg5[%dma_start3A_82, %dma_start3A_86] : memref<16x128xi32, #tpu.memory_space<vmem>> -> memref<1x128xi32, #tpu.memory_space<vmem>>
    %dma_start3A_88 = tpu.memref_squeeze %dma_start3A_87 : memref<1x128xi32, #tpu.memory_space<vmem>> -> memref<128xi32, #tpu.memory_space<vmem>>
    %dma_start3A_89 = arith.constant 0 : i32
    %dma_start3A_90 = arith.constant 0 : i32
    %dma_start3A_91 = tpu.memref_slice %arg2[%dma_start3A_89, %dma_start3A_90] : memref<4096x32xf32, #tpu.memory_space<hbm>> -> memref<4096x32xf32, #tpu.memory_space<hbm>>
    tpu.enqueue_indirect_dma source(%dma_start3A_91 : memref<4096x32xf32, #tpu.memory_space<hbm>>) target(%dma_start3A_85 : memref<128x32xf32, #tpu.memory_space<vmem>>) offsets(%dma_start3A_88 : memref<128xi32, #tpu.memory_space<vmem>>) semaphore(%arg7 : memref<!tpu.dma_semaphore, #tpu.memory_space<semaphore_mem>>)
    %dma_start3A_92 = arith.constant 9 : i32
    %dma_start3A_93 = arith.constant 1152 : i32
    %dma_start3A_94 = arith.constant 0 : i32
    %dma_start3A_95 = tpu.memref_slice %arg6[%dma_start3A_93, %dma_start3A_94] : memref<2048x32xf32, #tpu.memory_space<vmem>> -> memref<128x32xf32, #tpu.memory_space<vmem>>
    %dma_start3A_96 = arith.constant 0 : i32
    %dma_start3A_97 = tpu.memref_slice %arg5[%dma_start3A_92, %dma_start3A_96] : memref<16x128xi32, #tpu.memory_space<vmem>> -> memref<1x128xi32, #tpu.memory_space<vmem>>
    %dma_start3A_98 = tpu.memref_squeeze %dma_start3A_97 : memref<1x128xi32, #tpu.memory_space<vmem>> -> memref<128xi32, #tpu.memory_space<vmem>>
    %dma_start3A_99 = arith.constant 0 : i32
    %dma_start3A_100 = arith.constant 0 : i32
    %dma_start3A_101 = tpu.memref_slice %arg2[%dma_start3A_99, %dma_start3A_100] : memref<4096x32xf32, #tpu.memory_space<hbm>> -> memref<4096x32xf32, #tpu.memory_space<hbm>>
    tpu.enqueue_indirect_dma source(%dma_start3A_101 : memref<4096x32xf32, #tpu.memory_space<hbm>>) target(%dma_start3A_95 : memref<128x32xf32, #tpu.memory_space<vmem>>) offsets(%dma_start3A_98 : memref<128xi32, #tpu.memory_space<vmem>>) semaphore(%arg7 : memref<!tpu.dma_semaphore, #tpu.memory_space<semaphore_mem>>)
    %dma_start3A_102 = arith.constant 10 : i32
    %dma_start3A_103 = arith.constant 1280 : i32
    %dma_start3A_104 = arith.constant 0 : i32
    %dma_start3A_105 = tpu.memref_slice %arg6[%dma_start3A_103, %dma_start3A_104] : memref<2048x32xf32, #tpu.memory_space<vmem>> -> memref<128x32xf32, #tpu.memory_space<vmem>>
    %dma_start3A_106 = arith.constant 0 : i32
    %dma_start3A_107 = tpu.memref_slice %arg5[%dma_start3A_102, %dma_start3A_106] : memref<16x128xi32, #tpu.memory_space<vmem>> -> memref<1x128xi32, #tpu.memory_space<vmem>>
    %dma_start3A_108 = tpu.memref_squeeze %dma_start3A_107 : memref<1x128xi32, #tpu.memory_space<vmem>> -> memref<128xi32, #tpu.memory_space<vmem>>
    %dma_start3A_109 = arith.constant 0 : i32
    %dma_start3A_110 = arith.constant 0 : i32
    %dma_start3A_111 = tpu.memref_slice %arg2[%dma_start3A_109, %dma_start3A_110] : memref<4096x32xf32, #tpu.memory_space<hbm>> -> memref<4096x32xf32, #tpu.memory_space<hbm>>
    tpu.enqueue_indirect_dma source(%dma_start3A_111 : memref<4096x32xf32, #tpu.memory_space<hbm>>) target(%dma_start3A_105 : memref<128x32xf32, #tpu.memory_space<vmem>>) offsets(%dma_start3A_108 : memref<128xi32, #tpu.memory_space<vmem>>) semaphore(%arg7 : memref<!tpu.dma_semaphore, #tpu.memory_space<semaphore_mem>>)
    %dma_start3A_112 = arith.constant 11 : i32
    %dma_start3A_113 = arith.constant 1408 : i32
    %dma_start3A_114 = arith.constant 0 : i32
    %dma_start3A_115 = tpu.memref_slice %arg6[%dma_start3A_113, %dma_start3A_114] : memref<2048x32xf32, #tpu.memory_space<vmem>> -> memref<128x32xf32, #tpu.memory_space<vmem>>
    %dma_start3A_116 = arith.constant 0 : i32
    %dma_start3A_117 = tpu.memref_slice %arg5[%dma_start3A_112, %dma_start3A_116] : memref<16x128xi32, #tpu.memory_space<vmem>> -> memref<1x128xi32, #tpu.memory_space<vmem>>
    %dma_start3A_118 = tpu.memref_squeeze %dma_start3A_117 : memref<1x128xi32, #tpu.memory_space<vmem>> -> memref<128xi32, #tpu.memory_space<vmem>>
    %dma_start3A_119 = arith.constant 0 : i32
    %dma_start3A_120 = arith.constant 0 : i32
    %dma_start3A_121 = tpu.memref_slice %arg2[%dma_start3A_119, %dma_start3A_120] : memref<4096x32xf32, #tpu.memory_space<hbm>> -> memref<4096x32xf32, #tpu.memory_space<hbm>>
    tpu.enqueue_indirect_dma source(%dma_start3A_121 : memref<4096x32xf32, #tpu.memory_space<hbm>>) target(%dma_start3A_115 : memref<128x32xf32, #tpu.memory_space<vmem>>) offsets(%dma_start3A_118 : memref<128xi32, #tpu.memory_space<vmem>>) semaphore(%arg7 : memref<!tpu.dma_semaphore, #tpu.memory_space<semaphore_mem>>)
    %dma_start3A_122 = arith.constant 12 : i32
    %dma_start3A_123 = arith.constant 1536 : i32
    %dma_start3A_124 = arith.constant 0 : i32
    %dma_start3A_125 = tpu.memref_slice %arg6[%dma_start3A_123, %dma_start3A_124] : memref<2048x32xf32, #tpu.memory_space<vmem>> -> memref<128x32xf32, #tpu.memory_space<vmem>>
    %dma_start3A_126 = arith.constant 0 : i32
    %dma_start3A_127 = tpu.memref_slice %arg5[%dma_start3A_122, %dma_start3A_126] : memref<16x128xi32, #tpu.memory_space<vmem>> -> memref<1x128xi32, #tpu.memory_space<vmem>>
    %dma_start3A_128 = tpu.memref_squeeze %dma_start3A_127 : memref<1x128xi32, #tpu.memory_space<vmem>> -> memref<128xi32, #tpu.memory_space<vmem>>
    %dma_start3A_129 = arith.constant 0 : i32
    %dma_start3A_130 = arith.constant 0 : i32
    %dma_start3A_131 = tpu.memref_slice %arg2[%dma_start3A_129, %dma_start3A_130] : memref<4096x32xf32, #tpu.memory_space<hbm>> -> memref<4096x32xf32, #tpu.memory_space<hbm>>
    tpu.enqueue_indirect_dma source(%dma_start3A_131 : memref<4096x32xf32, #tpu.memory_space<hbm>>) target(%dma_start3A_125 : memref<128x32xf32, #tpu.memory_space<vmem>>) offsets(%dma_start3A_128 : memref<128xi32, #tpu.memory_space<vmem>>) semaphore(%arg7 : memref<!tpu.dma_semaphore, #tpu.memory_space<semaphore_mem>>)
    %dma_start3A_132 = arith.constant 13 : i32
    %dma_start3A_133 = arith.constant 1664 : i32
    %dma_start3A_134 = arith.constant 0 : i32
    %dma_start3A_135 = tpu.memref_slice %arg6[%dma_start3A_133, %dma_start3A_134] : memref<2048x32xf32, #tpu.memory_space<vmem>> -> memref<128x32xf32, #tpu.memory_space<vmem>>
    %dma_start3A_136 = arith.constant 0 : i32
    %dma_start3A_137 = tpu.memref_slice %arg5[%dma_start3A_132, %dma_start3A_136] : memref<16x128xi32, #tpu.memory_space<vmem>> -> memref<1x128xi32, #tpu.memory_space<vmem>>
    %dma_start3A_138 = tpu.memref_squeeze %dma_start3A_137 : memref<1x128xi32, #tpu.memory_space<vmem>> -> memref<128xi32, #tpu.memory_space<vmem>>
    %dma_start3A_139 = arith.constant 0 : i32
    %dma_start3A_140 = arith.constant 0 : i32
    %dma_start3A_141 = tpu.memref_slice %arg2[%dma_start3A_139, %dma_start3A_140] : memref<4096x32xf32, #tpu.memory_space<hbm>> -> memref<4096x32xf32, #tpu.memory_space<hbm>>
    tpu.enqueue_indirect_dma source(%dma_start3A_141 : memref<4096x32xf32, #tpu.memory_space<hbm>>) target(%dma_start3A_135 : memref<128x32xf32, #tpu.memory_space<vmem>>) offsets(%dma_start3A_138 : memref<128xi32, #tpu.memory_space<vmem>>) semaphore(%arg7 : memref<!tpu.dma_semaphore, #tpu.memory_space<semaphore_mem>>)
    %dma_start3A_142 = arith.constant 14 : i32
    %dma_start3A_143 = arith.constant 1792 : i32
    %dma_start3A_144 = arith.constant 0 : i32
    %dma_start3A_145 = tpu.memref_slice %arg6[%dma_start3A_143, %dma_start3A_144] : memref<2048x32xf32, #tpu.memory_space<vmem>> -> memref<128x32xf32, #tpu.memory_space<vmem>>
    %dma_start3A_146 = arith.constant 0 : i32
    %dma_start3A_147 = tpu.memref_slice %arg5[%dma_start3A_142, %dma_start3A_146] : memref<16x128xi32, #tpu.memory_space<vmem>> -> memref<1x128xi32, #tpu.memory_space<vmem>>
    %dma_start3A_148 = tpu.memref_squeeze %dma_start3A_147 : memref<1x128xi32, #tpu.memory_space<vmem>> -> memref<128xi32, #tpu.memory_space<vmem>>
    %dma_start3A_149 = arith.constant 0 : i32
    %dma_start3A_150 = arith.constant 0 : i32
    %dma_start3A_151 = tpu.memref_slice %arg2[%dma_start3A_149, %dma_start3A_150] : memref<4096x32xf32, #tpu.memory_space<hbm>> -> memref<4096x32xf32, #tpu.memory_space<hbm>>
    tpu.enqueue_indirect_dma source(%dma_start3A_151 : memref<4096x32xf32, #tpu.memory_space<hbm>>) target(%dma_start3A_145 : memref<128x32xf32, #tpu.memory_space<vmem>>) offsets(%dma_start3A_148 : memref<128xi32, #tpu.memory_space<vmem>>) semaphore(%arg7 : memref<!tpu.dma_semaphore, #tpu.memory_space<semaphore_mem>>)
    %dma_start3A_152 = arith.constant 15 : i32
    %dma_start3A_153 = arith.constant 1920 : i32
    %dma_start3A_154 = arith.constant 0 : i32
    %dma_start3A_155 = tpu.memref_slice %arg6[%dma_start3A_153, %dma_start3A_154] : memref<2048x32xf32, #tpu.memory_space<vmem>> -> memref<128x32xf32, #tpu.memory_space<vmem>>
    %dma_start3A_156 = arith.constant 0 : i32
    %dma_start3A_157 = tpu.memref_slice %arg5[%dma_start3A_152, %dma_start3A_156] : memref<16x128xi32, #tpu.memory_space<vmem>> -> memref<1x128xi32, #tpu.memory_space<vmem>>
    %dma_start3A_158 = tpu.memref_squeeze %dma_start3A_157 : memref<1x128xi32, #tpu.memory_space<vmem>> -> memref<128xi32, #tpu.memory_space<vmem>>
    %dma_start3A_159 = arith.constant 0 : i32
    %dma_start3A_160 = arith.constant 0 : i32
    %dma_start3A_161 = tpu.memref_slice %arg2[%dma_start3A_159, %dma_start3A_160] : memref<4096x32xf32, #tpu.memory_space<hbm>> -> memref<4096x32xf32, #tpu.memory_space<hbm>>
    tpu.enqueue_indirect_dma source(%dma_start3A_161 : memref<4096x32xf32, #tpu.memory_space<hbm>>) target(%dma_start3A_155 : memref<128x32xf32, #tpu.memory_space<vmem>>) offsets(%dma_start3A_158 : memref<128xi32, #tpu.memory_space<vmem>>) semaphore(%arg7 : memref<!tpu.dma_semaphore, #tpu.memory_space<semaphore_mem>>)
    %dma_wait3A = arith.constant 0 : i32
    %dma_wait3A_162 = arith.constant 0 : i32
    %dma_wait3A_163 = arith.constant 0 : i32
    %dma_wait3A_164 = tpu.memref_slice %arg6[%dma_wait3A_162, %dma_wait3A_163] : memref<2048x32xf32, #tpu.memory_space<vmem>> -> memref<128x32xf32, #tpu.memory_space<vmem>>
    %dma_wait3A_165 = arith.constant 0 : i32
    %dma_wait3A_166 = tpu.memref_slice %arg5[%dma_wait3A, %dma_wait3A_165] : memref<16x128xi32, #tpu.memory_space<vmem>> -> memref<1x128xi32, #tpu.memory_space<vmem>>
    %dma_wait3A_167 = tpu.memref_squeeze %dma_wait3A_166 : memref<1x128xi32, #tpu.memory_space<vmem>> -> memref<128xi32, #tpu.memory_space<vmem>>
    %dma_wait3A_168 = arith.constant 0 : i32
    %dma_wait3A_169 = arith.constant 0 : i32
    %dma_wait3A_170 = tpu.memref_slice %arg2[%dma_wait3A_168, %dma_wait3A_169] : memref<4096x32xf32, #tpu.memory_space<hbm>> -> memref<4096x32xf32, #tpu.memory_space<hbm>>
    tpu.wait_indirect_dma semaphore(%arg7 : memref<!tpu.dma_semaphore, #tpu.memory_space<semaphore_mem>>) src(%dma_wait3A_170 : memref<4096x32xf32, #tpu.memory_space<hbm>>) dst(%dma_wait3A_164 : memref<128x32xf32, #tpu.memory_space<vmem>>)
    %dma_wait3A_171 = arith.constant 1 : i32
    %dma_wait3A_172 = arith.constant 128 : i32
    %dma_wait3A_173 = arith.constant 0 : i32
    %dma_wait3A_174 = tpu.memref_slice %arg6[%dma_wait3A_172, %dma_wait3A_173] : memref<2048x32xf32, #tpu.memory_space<vmem>> -> memref<128x32xf32, #tpu.memory_space<vmem>>
    %dma_wait3A_175 = arith.constant 0 : i32
    %dma_wait3A_176 = tpu.memref_slice %arg5[%dma_wait3A_171, %dma_wait3A_175] : memref<16x128xi32, #tpu.memory_space<vmem>> -> memref<1x128xi32, #tpu.memory_space<vmem>>
    %dma_wait3A_177 = tpu.memref_squeeze %dma_wait3A_176 : memref<1x128xi32, #tpu.memory_space<vmem>> -> memref<128xi32, #tpu.memory_space<vmem>>
    %dma_wait3A_178 = arith.constant 0 : i32
    %dma_wait3A_179 = arith.constant 0 : i32
    %dma_wait3A_180 = tpu.memref_slice %arg2[%dma_wait3A_178, %dma_wait3A_179] : memref<4096x32xf32, #tpu.memory_space<hbm>> -> memref<4096x32xf32, #tpu.memory_space<hbm>>
    tpu.wait_indirect_dma semaphore(%arg7 : memref<!tpu.dma_semaphore, #tpu.memory_space<semaphore_mem>>) src(%dma_wait3A_180 : memref<4096x32xf32, #tpu.memory_space<hbm>>) dst(%dma_wait3A_174 : memref<128x32xf32, #tpu.memory_space<vmem>>)
    %dma_wait3A_181 = arith.constant 2 : i32
    %dma_wait3A_182 = arith.constant 256 : i32
    %dma_wait3A_183 = arith.constant 0 : i32
    %dma_wait3A_184 = tpu.memref_slice %arg6[%dma_wait3A_182, %dma_wait3A_183] : memref<2048x32xf32, #tpu.memory_space<vmem>> -> memref<128x32xf32, #tpu.memory_space<vmem>>
    %dma_wait3A_185 = arith.constant 0 : i32
    %dma_wait3A_186 = tpu.memref_slice %arg5[%dma_wait3A_181, %dma_wait3A_185] : memref<16x128xi32, #tpu.memory_space<vmem>> -> memref<1x128xi32, #tpu.memory_space<vmem>>
    %dma_wait3A_187 = tpu.memref_squeeze %dma_wait3A_186 : memref<1x128xi32, #tpu.memory_space<vmem>> -> memref<128xi32, #tpu.memory_space<vmem>>
    %dma_wait3A_188 = arith.constant 0 : i32
    %dma_wait3A_189 = arith.constant 0 : i32
    %dma_wait3A_190 = tpu.memref_slice %arg2[%dma_wait3A_188, %dma_wait3A_189] : memref<4096x32xf32, #tpu.memory_space<hbm>> -> memref<4096x32xf32, #tpu.memory_space<hbm>>
    tpu.wait_indirect_dma semaphore(%arg7 : memref<!tpu.dma_semaphore, #tpu.memory_space<semaphore_mem>>) src(%dma_wait3A_190 : memref<4096x32xf32, #tpu.memory_space<hbm>>) dst(%dma_wait3A_184 : memref<128x32xf32, #tpu.memory_space<vmem>>)
    %dma_wait3A_191 = arith.constant 3 : i32
    %dma_wait3A_192 = arith.constant 384 : i32
    %dma_wait3A_193 = arith.constant 0 : i32
    %dma_wait3A_194 = tpu.memref_slice %arg6[%dma_wait3A_192, %dma_wait3A_193] : memref<2048x32xf32, #tpu.memory_space<vmem>> -> memref<128x32xf32, #tpu.memory_space<vmem>>
    %dma_wait3A_195 = arith.constant 0 : i32
    %dma_wait3A_196 = tpu.memref_slice %arg5[%dma_wait3A_191, %dma_wait3A_195] : memref<16x128xi32, #tpu.memory_space<vmem>> -> memref<1x128xi32, #tpu.memory_space<vmem>>
    %dma_wait3A_197 = tpu.memref_squeeze %dma_wait3A_196 : memref<1x128xi32, #tpu.memory_space<vmem>> -> memref<128xi32, #tpu.memory_space<vmem>>
    %dma_wait3A_198 = arith.constant 0 : i32
    %dma_wait3A_199 = arith.constant 0 : i32
    %dma_wait3A_200 = tpu.memref_slice %arg2[%dma_wait3A_198, %dma_wait3A_199] : memref<4096x32xf32, #tpu.memory_space<hbm>> -> memref<4096x32xf32, #tpu.memory_space<hbm>>
    tpu.wait_indirect_dma semaphore(%arg7 : memref<!tpu.dma_semaphore, #tpu.memory_space<semaphore_mem>>) src(%dma_wait3A_200 : memref<4096x32xf32, #tpu.memory_space<hbm>>) dst(%dma_wait3A_194 : memref<128x32xf32, #tpu.memory_space<vmem>>)
    %dma_wait3A_201 = arith.constant 4 : i32
    %dma_wait3A_202 = arith.constant 512 : i32
    %dma_wait3A_203 = arith.constant 0 : i32
    %dma_wait3A_204 = tpu.memref_slice %arg6[%dma_wait3A_202, %dma_wait3A_203] : memref<2048x32xf32, #tpu.memory_space<vmem>> -> memref<128x32xf32, #tpu.memory_space<vmem>>
    %dma_wait3A_205 = arith.constant 0 : i32
    %dma_wait3A_206 = tpu.memref_slice %arg5[%dma_wait3A_201, %dma_wait3A_205] : memref<16x128xi32, #tpu.memory_space<vmem>> -> memref<1x128xi32, #tpu.memory_space<vmem>>
    %dma_wait3A_207 = tpu.memref_squeeze %dma_wait3A_206 : memref<1x128xi32, #tpu.memory_space<vmem>> -> memref<128xi32, #tpu.memory_space<vmem>>
    %dma_wait3A_208 = arith.constant 0 : i32
    %dma_wait3A_209 = arith.constant 0 : i32
    %dma_wait3A_210 = tpu.memref_slice %arg2[%dma_wait3A_208, %dma_wait3A_209] : memref<4096x32xf32, #tpu.memory_space<hbm>> -> memref<4096x32xf32, #tpu.memory_space<hbm>>
    tpu.wait_indirect_dma semaphore(%arg7 : memref<!tpu.dma_semaphore, #tpu.memory_space<semaphore_mem>>) src(%dma_wait3A_210 : memref<4096x32xf32, #tpu.memory_space<hbm>>) dst(%dma_wait3A_204 : memref<128x32xf32, #tpu.memory_space<vmem>>)
    %dma_wait3A_211 = arith.constant 5 : i32
    %dma_wait3A_212 = arith.constant 640 : i32
    %dma_wait3A_213 = arith.constant 0 : i32
    %dma_wait3A_214 = tpu.memref_slice %arg6[%dma_wait3A_212, %dma_wait3A_213] : memref<2048x32xf32, #tpu.memory_space<vmem>> -> memref<128x32xf32, #tpu.memory_space<vmem>>
    %dma_wait3A_215 = arith.constant 0 : i32
    %dma_wait3A_216 = tpu.memref_slice %arg5[%dma_wait3A_211, %dma_wait3A_215] : memref<16x128xi32, #tpu.memory_space<vmem>> -> memref<1x128xi32, #tpu.memory_space<vmem>>
    %dma_wait3A_217 = tpu.memref_squeeze %dma_wait3A_216 : memref<1x128xi32, #tpu.memory_space<vmem>> -> memref<128xi32, #tpu.memory_space<vmem>>
    %dma_wait3A_218 = arith.constant 0 : i32
    %dma_wait3A_219 = arith.constant 0 : i32
    %dma_wait3A_220 = tpu.memref_slice %arg2[%dma_wait3A_218, %dma_wait3A_219] : memref<4096x32xf32, #tpu.memory_space<hbm>> -> memref<4096x32xf32, #tpu.memory_space<hbm>>
    tpu.wait_indirect_dma semaphore(%arg7 : memref<!tpu.dma_semaphore, #tpu.memory_space<semaphore_mem>>) src(%dma_wait3A_220 : memref<4096x32xf32, #tpu.memory_space<hbm>>) dst(%dma_wait3A_214 : memref<128x32xf32, #tpu.memory_space<vmem>>)
    %dma_wait3A_221 = arith.constant 6 : i32
    %dma_wait3A_222 = arith.constant 768 : i32
    %dma_wait3A_223 = arith.constant 0 : i32
    %dma_wait3A_224 = tpu.memref_slice %arg6[%dma_wait3A_222, %dma_wait3A_223] : memref<2048x32xf32, #tpu.memory_space<vmem>> -> memref<128x32xf32, #tpu.memory_space<vmem>>
    %dma_wait3A_225 = arith.constant 0 : i32
    %dma_wait3A_226 = tpu.memref_slice %arg5[%dma_wait3A_221, %dma_wait3A_225] : memref<16x128xi32, #tpu.memory_space<vmem>> -> memref<1x128xi32, #tpu.memory_space<vmem>>
    %dma_wait3A_227 = tpu.memref_squeeze %dma_wait3A_226 : memref<1x128xi32, #tpu.memory_space<vmem>> -> memref<128xi32, #tpu.memory_space<vmem>>
    %dma_wait3A_228 = arith.constant 0 : i32
    %dma_wait3A_229 = arith.constant 0 : i32
    %dma_wait3A_230 = tpu.memref_slice %arg2[%dma_wait3A_228, %dma_wait3A_229] : memref<4096x32xf32, #tpu.memory_space<hbm>> -> memref<4096x32xf32, #tpu.memory_space<hbm>>
    tpu.wait_indirect_dma semaphore(%arg7 : memref<!tpu.dma_semaphore, #tpu.memory_space<semaphore_mem>>) src(%dma_wait3A_230 : memref<4096x32xf32, #tpu.memory_space<hbm>>) dst(%dma_wait3A_224 : memref<128x32xf32, #tpu.memory_space<vmem>>)
    %dma_wait3A_231 = arith.constant 7 : i32
    %dma_wait3A_232 = arith.constant 896 : i32
    %dma_wait3A_233 = arith.constant 0 : i32
    %dma_wait3A_234 = tpu.memref_slice %arg6[%dma_wait3A_232, %dma_wait3A_233] : memref<2048x32xf32, #tpu.memory_space<vmem>> -> memref<128x32xf32, #tpu.memory_space<vmem>>
    %dma_wait3A_235 = arith.constant 0 : i32
    %dma_wait3A_236 = tpu.memref_slice %arg5[%dma_wait3A_231, %dma_wait3A_235] : memref<16x128xi32, #tpu.memory_space<vmem>> -> memref<1x128xi32, #tpu.memory_space<vmem>>
    %dma_wait3A_237 = tpu.memref_squeeze %dma_wait3A_236 : memref<1x128xi32, #tpu.memory_space<vmem>> -> memref<128xi32, #tpu.memory_space<vmem>>
    %dma_wait3A_238 = arith.constant 0 : i32
    %dma_wait3A_239 = arith.constant 0 : i32
    %dma_wait3A_240 = tpu.memref_slice %arg2[%dma_wait3A_238, %dma_wait3A_239] : memref<4096x32xf32, #tpu.memory_space<hbm>> -> memref<4096x32xf32, #tpu.memory_space<hbm>>
    tpu.wait_indirect_dma semaphore(%arg7 : memref<!tpu.dma_semaphore, #tpu.memory_space<semaphore_mem>>) src(%dma_wait3A_240 : memref<4096x32xf32, #tpu.memory_space<hbm>>) dst(%dma_wait3A_234 : memref<128x32xf32, #tpu.memory_space<vmem>>)
    %dma_wait3A_241 = arith.constant 8 : i32
    %dma_wait3A_242 = arith.constant 1024 : i32
    %dma_wait3A_243 = arith.constant 0 : i32
    %dma_wait3A_244 = tpu.memref_slice %arg6[%dma_wait3A_242, %dma_wait3A_243] : memref<2048x32xf32, #tpu.memory_space<vmem>> -> memref<128x32xf32, #tpu.memory_space<vmem>>
    %dma_wait3A_245 = arith.constant 0 : i32
    %dma_wait3A_246 = tpu.memref_slice %arg5[%dma_wait3A_241, %dma_wait3A_245] : memref<16x128xi32, #tpu.memory_space<vmem>> -> memref<1x128xi32, #tpu.memory_space<vmem>>
    %dma_wait3A_247 = tpu.memref_squeeze %dma_wait3A_246 : memref<1x128xi32, #tpu.memory_space<vmem>> -> memref<128xi32, #tpu.memory_space<vmem>>
    %dma_wait3A_248 = arith.constant 0 : i32
    %dma_wait3A_249 = arith.constant 0 : i32
    %dma_wait3A_250 = tpu.memref_slice %arg2[%dma_wait3A_248, %dma_wait3A_249] : memref<4096x32xf32, #tpu.memory_space<hbm>> -> memref<4096x32xf32, #tpu.memory_space<hbm>>
    tpu.wait_indirect_dma semaphore(%arg7 : memref<!tpu.dma_semaphore, #tpu.memory_space<semaphore_mem>>) src(%dma_wait3A_250 : memref<4096x32xf32, #tpu.memory_space<hbm>>) dst(%dma_wait3A_244 : memref<128x32xf32, #tpu.memory_space<vmem>>)
    %dma_wait3A_251 = arith.constant 9 : i32
    %dma_wait3A_252 = arith.constant 1152 : i32
    %dma_wait3A_253 = arith.constant 0 : i32
    %dma_wait3A_254 = tpu.memref_slice %arg6[%dma_wait3A_252, %dma_wait3A_253] : memref<2048x32xf32, #tpu.memory_space<vmem>> -> memref<128x32xf32, #tpu.memory_space<vmem>>
    %dma_wait3A_255 = arith.constant 0 : i32
    %dma_wait3A_256 = tpu.memref_slice %arg5[%dma_wait3A_251, %dma_wait3A_255] : memref<16x128xi32, #tpu.memory_space<vmem>> -> memref<1x128xi32, #tpu.memory_space<vmem>>
    %dma_wait3A_257 = tpu.memref_squeeze %dma_wait3A_256 : memref<1x128xi32, #tpu.memory_space<vmem>> -> memref<128xi32, #tpu.memory_space<vmem>>
    %dma_wait3A_258 = arith.constant 0 : i32
    %dma_wait3A_259 = arith.constant 0 : i32
    %dma_wait3A_260 = tpu.memref_slice %arg2[%dma_wait3A_258, %dma_wait3A_259] : memref<4096x32xf32, #tpu.memory_space<hbm>> -> memref<4096x32xf32, #tpu.memory_space<hbm>>
    tpu.wait_indirect_dma semaphore(%arg7 : memref<!tpu.dma_semaphore, #tpu.memory_space<semaphore_mem>>) src(%dma_wait3A_260 : memref<4096x32xf32, #tpu.memory_space<hbm>>) dst(%dma_wait3A_254 : memref<128x32xf32, #tpu.memory_space<vmem>>)
    %dma_wait3A_261 = arith.constant 10 : i32
    %dma_wait3A_262 = arith.constant 1280 : i32
    %dma_wait3A_263 = arith.constant 0 : i32
    %dma_wait3A_264 = tpu.memref_slice %arg6[%dma_wait3A_262, %dma_wait3A_263] : memref<2048x32xf32, #tpu.memory_space<vmem>> -> memref<128x32xf32, #tpu.memory_space<vmem>>
    %dma_wait3A_265 = arith.constant 0 : i32
    %dma_wait3A_266 = tpu.memref_slice %arg5[%dma_wait3A_261, %dma_wait3A_265] : memref<16x128xi32, #tpu.memory_space<vmem>> -> memref<1x128xi32, #tpu.memory_space<vmem>>
    %dma_wait3A_267 = tpu.memref_squeeze %dma_wait3A_266 : memref<1x128xi32, #tpu.memory_space<vmem>> -> memref<128xi32, #tpu.memory_space<vmem>>
    %dma_wait3A_268 = arith.constant 0 : i32
    %dma_wait3A_269 = arith.constant 0 : i32
    %dma_wait3A_270 = tpu.memref_slice %arg2[%dma_wait3A_268, %dma_wait3A_269] : memref<4096x32xf32, #tpu.memory_space<hbm>> -> memref<4096x32xf32, #tpu.memory_space<hbm>>
    tpu.wait_indirect_dma semaphore(%arg7 : memref<!tpu.dma_semaphore, #tpu.memory_space<semaphore_mem>>) src(%dma_wait3A_270 : memref<4096x32xf32, #tpu.memory_space<hbm>>) dst(%dma_wait3A_264 : memref<128x32xf32, #tpu.memory_space<vmem>>)
    %dma_wait3A_271 = arith.constant 11 : i32
    %dma_wait3A_272 = arith.constant 1408 : i32
    %dma_wait3A_273 = arith.constant 0 : i32
    %dma_wait3A_274 = tpu.memref_slice %arg6[%dma_wait3A_272, %dma_wait3A_273] : memref<2048x32xf32, #tpu.memory_space<vmem>> -> memref<128x32xf32, #tpu.memory_space<vmem>>
    %dma_wait3A_275 = arith.constant 0 : i32
    %dma_wait3A_276 = tpu.memref_slice %arg5[%dma_wait3A_271, %dma_wait3A_275] : memref<16x128xi32, #tpu.memory_space<vmem>> -> memref<1x128xi32, #tpu.memory_space<vmem>>
    %dma_wait3A_277 = tpu.memref_squeeze %dma_wait3A_276 : memref<1x128xi32, #tpu.memory_space<vmem>> -> memref<128xi32, #tpu.memory_space<vmem>>
    %dma_wait3A_278 = arith.constant 0 : i32
    %dma_wait3A_279 = arith.constant 0 : i32
    %dma_wait3A_280 = tpu.memref_slice %arg2[%dma_wait3A_278, %dma_wait3A_279] : memref<4096x32xf32, #tpu.memory_space<hbm>> -> memref<4096x32xf32, #tpu.memory_space<hbm>>
    tpu.wait_indirect_dma semaphore(%arg7 : memref<!tpu.dma_semaphore, #tpu.memory_space<semaphore_mem>>) src(%dma_wait3A_280 : memref<4096x32xf32, #tpu.memory_space<hbm>>) dst(%dma_wait3A_274 : memref<128x32xf32, #tpu.memory_space<vmem>>)
    %dma_wait3A_281 = arith.constant 12 : i32
    %dma_wait3A_282 = arith.constant 1536 : i32
    %dma_wait3A_283 = arith.constant 0 : i32
    %dma_wait3A_284 = tpu.memref_slice %arg6[%dma_wait3A_282, %dma_wait3A_283] : memref<2048x32xf32, #tpu.memory_space<vmem>> -> memref<128x32xf32, #tpu.memory_space<vmem>>
    %dma_wait3A_285 = arith.constant 0 : i32
    %dma_wait3A_286 = tpu.memref_slice %arg5[%dma_wait3A_281, %dma_wait3A_285] : memref<16x128xi32, #tpu.memory_space<vmem>> -> memref<1x128xi32, #tpu.memory_space<vmem>>
    %dma_wait3A_287 = tpu.memref_squeeze %dma_wait3A_286 : memref<1x128xi32, #tpu.memory_space<vmem>> -> memref<128xi32, #tpu.memory_space<vmem>>
    %dma_wait3A_288 = arith.constant 0 : i32
    %dma_wait3A_289 = arith.constant 0 : i32
    %dma_wait3A_290 = tpu.memref_slice %arg2[%dma_wait3A_288, %dma_wait3A_289] : memref<4096x32xf32, #tpu.memory_space<hbm>> -> memref<4096x32xf32, #tpu.memory_space<hbm>>
    tpu.wait_indirect_dma semaphore(%arg7 : memref<!tpu.dma_semaphore, #tpu.memory_space<semaphore_mem>>) src(%dma_wait3A_290 : memref<4096x32xf32, #tpu.memory_space<hbm>>) dst(%dma_wait3A_284 : memref<128x32xf32, #tpu.memory_space<vmem>>)
    %dma_wait3A_291 = arith.constant 13 : i32
    %dma_wait3A_292 = arith.constant 1664 : i32
    %dma_wait3A_293 = arith.constant 0 : i32
    %dma_wait3A_294 = tpu.memref_slice %arg6[%dma_wait3A_292, %dma_wait3A_293] : memref<2048x32xf32, #tpu.memory_space<vmem>> -> memref<128x32xf32, #tpu.memory_space<vmem>>
    %dma_wait3A_295 = arith.constant 0 : i32
    %dma_wait3A_296 = tpu.memref_slice %arg5[%dma_wait3A_291, %dma_wait3A_295] : memref<16x128xi32, #tpu.memory_space<vmem>> -> memref<1x128xi32, #tpu.memory_space<vmem>>
    %dma_wait3A_297 = tpu.memref_squeeze %dma_wait3A_296 : memref<1x128xi32, #tpu.memory_space<vmem>> -> memref<128xi32, #tpu.memory_space<vmem>>
    %dma_wait3A_298 = arith.constant 0 : i32
    %dma_wait3A_299 = arith.constant 0 : i32
    %dma_wait3A_300 = tpu.memref_slice %arg2[%dma_wait3A_298, %dma_wait3A_299] : memref<4096x32xf32, #tpu.memory_space<hbm>> -> memref<4096x32xf32, #tpu.memory_space<hbm>>
    tpu.wait_indirect_dma semaphore(%arg7 : memref<!tpu.dma_semaphore, #tpu.memory_space<semaphore_mem>>) src(%dma_wait3A_300 : memref<4096x32xf32, #tpu.memory_space<hbm>>) dst(%dma_wait3A_294 : memref<128x32xf32, #tpu.memory_space<vmem>>)
    %dma_wait3A_301 = arith.constant 14 : i32
    %dma_wait3A_302 = arith.constant 1792 : i32
    %dma_wait3A_303 = arith.constant 0 : i32
    %dma_wait3A_304 = tpu.memref_slice %arg6[%dma_wait3A_302, %dma_wait3A_303] : memref<2048x32xf32, #tpu.memory_space<vmem>> -> memref<128x32xf32, #tpu.memory_space<vmem>>
    %dma_wait3A_305 = arith.constant 0 : i32
    %dma_wait3A_306 = tpu.memref_slice %arg5[%dma_wait3A_301, %dma_wait3A_305] : memref<16x128xi32, #tpu.memory_space<vmem>> -> memref<1x128xi32, #tpu.memory_space<vmem>>
    %dma_wait3A_307 = tpu.memref_squeeze %dma_wait3A_306 : memref<1x128xi32, #tpu.memory_space<vmem>> -> memref<128xi32, #tpu.memory_space<vmem>>
    %dma_wait3A_308 = arith.constant 0 : i32
    %dma_wait3A_309 = arith.constant 0 : i32
    %dma_wait3A_310 = tpu.memref_slice %arg2[%dma_wait3A_308, %dma_wait3A_309] : memref<4096x32xf32, #tpu.memory_space<hbm>> -> memref<4096x32xf32, #tpu.memory_space<hbm>>
    tpu.wait_indirect_dma semaphore(%arg7 : memref<!tpu.dma_semaphore, #tpu.memory_space<semaphore_mem>>) src(%dma_wait3A_310 : memref<4096x32xf32, #tpu.memory_space<hbm>>) dst(%dma_wait3A_304 : memref<128x32xf32, #tpu.memory_space<vmem>>)
    %dma_wait3A_311 = arith.constant 15 : i32
    %dma_wait3A_312 = arith.constant 1920 : i32
    %dma_wait3A_313 = arith.constant 0 : i32
    %dma_wait3A_314 = tpu.memref_slice %arg6[%dma_wait3A_312, %dma_wait3A_313] : memref<2048x32xf32, #tpu.memory_space<vmem>> -> memref<128x32xf32, #tpu.memory_space<vmem>>
    %dma_wait3A_315 = arith.constant 0 : i32
    %dma_wait3A_316 = tpu.memref_slice %arg5[%dma_wait3A_311, %dma_wait3A_315] : memref<16x128xi32, #tpu.memory_space<vmem>> -> memref<1x128xi32, #tpu.memory_space<vmem>>
    %dma_wait3A_317 = tpu.memref_squeeze %dma_wait3A_316 : memref<1x128xi32, #tpu.memory_space<vmem>> -> memref<128xi32, #tpu.memory_space<vmem>>
    %dma_wait3A_318 = arith.constant 0 : i32
    %dma_wait3A_319 = arith.constant 0 : i32
    %dma_wait3A_320 = tpu.memref_slice %arg2[%dma_wait3A_318, %dma_wait3A_319] : memref<4096x32xf32, #tpu.memory_space<hbm>> -> memref<4096x32xf32, #tpu.memory_space<hbm>>
    tpu.wait_indirect_dma semaphore(%arg7 : memref<!tpu.dma_semaphore, #tpu.memory_space<semaphore_mem>>) src(%dma_wait3A_320 : memref<4096x32xf32, #tpu.memory_space<hbm>>) dst(%dma_wait3A_314 : memref<128x32xf32, #tpu.memory_space<vmem>>)
    %mul3A_321 = arith.constant 2048 : i32
    %mul3A_322 = arith.muli %add3A, %mul3A_321 : i32
    "tpu.region"() ({
      %run_scoped3A = tpu.sem_alloc : memref<!tpu.dma_semaphore, #tpu.memory_space<semaphore_mem>>
      %dma_start3A_323 = arith.constant 0 : i32
      %dma_start3A_324 = tpu.memref_slice %arg4[%mul3A_322, %dma_start3A_323] : memref<65536x32xf32, #tpu.memory_space<hbm>> -> memref<2048x32xf32, #tpu.memory_space<hbm>>
      %dma_start3A_325 = arith.constant 0 : i32
      %dma_start3A_326 = tpu.memref_slice %arg4[%mul3A_322, %dma_start3A_325] : memref<65536x32xf32, #tpu.memory_space<hbm>> -> memref<2048x32xf32, #tpu.memory_space<hbm>>
      tpu.enqueue_dma source(%arg6 : memref<2048x32xf32, #tpu.memory_space<vmem>>) target(%dma_start3A_326 : memref<2048x32xf32, #tpu.memory_space<hbm>>) target_semaphore(%run_scoped3A : memref<!tpu.dma_semaphore, #tpu.memory_space<semaphore_mem>>)
      %dma_wait3A_327 = arith.constant 0 : i32
      %dma_wait3A_328 = tpu.memref_slice %arg4[%mul3A_322, %dma_wait3A_327] : memref<65536x32xf32, #tpu.memory_space<hbm>> -> memref<2048x32xf32, #tpu.memory_space<hbm>>
      %dma_wait3A_329 = arith.constant 0 : i32
      %dma_wait3A_330 = tpu.memref_slice %arg4[%mul3A_322, %dma_wait3A_329] : memref<65536x32xf32, #tpu.memory_space<hbm>> -> memref<2048x32xf32, #tpu.memory_space<hbm>>
      tpu.wait_dma2 semaphore(%run_scoped3A : memref<!tpu.dma_semaphore, #tpu.memory_space<semaphore_mem>>) src(%arg6 : memref<2048x32xf32, #tpu.memory_space<vmem>>) dst(%dma_wait3A_330 : memref<2048x32xf32, #tpu.memory_space<hbm>>)
      tpu.yield
    }) : () -> ()
    return
  }
}

module attributes {stable_mosaic.version = 14 : i64} {
  func.func @_metrics_body(%arg0: i32, %arg1: memref<1x512x32xf32, #tpu.memory_space<vmem>>, %arg2: memref<1x512x1xf32, #tpu.memory_space<vmem>>, %arg3: memref<1x512x32xf32, #tpu.memory_space<vmem>>, %arg4: memref<1x1x32xf32, #tpu.memory_space<vmem>>) attributes {dimension_semantics = [#tpu.dimension_semantics<parallel>], iteration_bounds = array<i64: 8>, scalar_prefetch = 0 : i64, scratch_operands = 0 : i64, tpu.core_type = #tpu.core_type<tc>, window_params = [{transform_indices = @transform_0, window_bounds = array<i64: 1, 512, 32>}, {transform_indices = @transform_1, window_bounds = array<i64: 1, 512, 1>}, {transform_indices = @transform_2, window_bounds = array<i64: 1, 512, 32>}, {transform_indices = @transform_3, window_bounds = array<i64: 1, 1, 32>}]} {
    %get3A = arith.constant 0 : index
    %get3A_0 = arith.constant 0 : index
    %get3A_1 = arith.constant 0 : index
    %get3A_2 = vector.load %arg2[%get3A, %get3A_0, %get3A_1] : memref<1x512x1xf32, #tpu.memory_space<vmem>>, vector<1x512x1xf32>
    %get3A_3 = vector.shape_cast %get3A_2 : vector<1x512x1xf32> to vector<512x1xf32>
    %max3A = arith.constant 0.00999999977 : f32
    %max3A_4 = vector.broadcast %max3A : f32 to vector<512x1xf32>
    %max3A_5 = arith.maximumf %get3A_3, %max3A_4 : vector<512x1xf32>
    %get3A_6 = arith.constant 0 : index
    %get3A_7 = arith.constant 0 : index
    %get3A_8 = arith.constant 0 : index
    %get3A_9 = vector.load %arg1[%get3A_6, %get3A_7, %get3A_8] : memref<1x512x32xf32, #tpu.memory_space<vmem>>, vector<1x512x32xf32>
    %get3A_10 = vector.shape_cast %get3A_9 : vector<1x512x32xf32> to vector<512x32xf32>
    %div3A = vector.broadcast %max3A_5 : vector<512x1xf32> to vector<512x32xf32>
    %div3A_11 = arith.divf %get3A_10, %div3A : vector<512x32xf32>
    %swap3A = arith.constant 0 : index
    %swap3A_12 = arith.constant 0 : index
    %swap3A_13 = arith.constant 0 : index
    %swap3A_14 = vector.load %arg3[%swap3A, %swap3A_12, %swap3A_13] : memref<1x512x32xf32, #tpu.memory_space<vmem>>, vector<1x512x32xf32>
    %swap3A_15 = vector.shape_cast %swap3A_14 : vector<1x512x32xf32> to vector<512x32xf32>
    %swap3A_16 = vector.shape_cast %div3A_11 : vector<512x32xf32> to vector<1x512x32xf32>
    tpu.vector_store %arg3[%swap3A, %swap3A_12, %swap3A_13], %swap3A_16 {strides = array<i32>} : memref<1x512x32xf32, #tpu.memory_space<vmem>>, vector<1x512x32xf32>,
    %mul3A = arith.mulf %div3A_11, %div3A_11 : vector<512x32xf32>
    %reduce_sum3A = arith.constant dense<0.000000e+00> : vector<512xf32>
    %reduce_sum3A_17 = vector.multi_reduction <add>, %mul3A, %reduce_sum3A [1] : vector<512x32xf32> to vector<512xf32>
    %broadcast_in_dim3A = vector.shape_cast %reduce_sum3A_17 : vector<512xf32> to vector<512x1xf32>
    %sqrt3A = math.sqrt %broadcast_in_dim3A : vector<512x1xf32>
    %max3A_18 = arith.constant 0.00999999977 : f32
    %max3A_19 = vector.broadcast %max3A_18 : f32 to vector<512x1xf32>
    %max3A_20 = arith.maximumf %sqrt3A, %max3A_19 : vector<512x1xf32>
    %div3A_21 = vector.broadcast %max3A_20 : vector<512x1xf32> to vector<512x32xf32>
    %div3A_22 = arith.divf %div3A_11, %div3A_21 : vector<512x32xf32>
    %dot_general3A = arith.constant dense<0.000000e+00> : vector<512x512xf32>
    %dot_general3A_23 = tpu.matmul %div3A_22, %div3A_22, %dot_general3A {dimension_numbers = #tpu.dot_dimension_numbers<[1], [1], [0], [0], [0, 0, 1, 0], [], []>, transpose_lhs_hint = false} : vector<512x32xf32>, vector<512x32xf32>, vector<512x512xf32> -> vector<512x512xf32>
    %dot_general3A_24 = arith.constant dense<0.000000e+00> : vector<512x512xf32>
    %dot_general3A_25 = tpu.matmul %div3A_11, %div3A_11, %dot_general3A_24 {dimension_numbers = #tpu.dot_dimension_numbers<[1], [1], [0], [0], [0, 0, 1, 0], [], []>, transpose_lhs_hint = false} : vector<512x32xf32>, vector<512x32xf32>, vector<512x512xf32> -> vector<512x512xf32>
    %broadcast_in_dim3A_26 = arith.constant 1.000000e+00 : f32
    %broadcast_in_dim3A_27 = vector.broadcast %broadcast_in_dim3A_26 : f32 to vector<8x32xf32>
    %mul3A_28 = arith.mulf %div3A_11, %div3A_11 : vector<512x32xf32>
    %dot_general3A_29 = arith.constant dense<0.000000e+00> : vector<8x512xf32>
    %dot_general3A_30 = tpu.matmul %broadcast_in_dim3A_27, %mul3A_28, %dot_general3A_29 {dimension_numbers = #tpu.dot_dimension_numbers<[1], [1], [0], [0], [0, 0, 1, 0], [], []>, precision = #tpu.contract_precision<fp32>, transpose_lhs_hint = false} : vector<8x32xf32>, vector<512x32xf32>, vector<8x512xf32> -> vector<8x512xf32>
    %slice3A = vector.extract_strided_slice %dot_general3A_30 {offsets = [0, 0], sizes = [1, 512], strides = [1, 1]} : vector<8x512xf32> to vector<1x512xf32>
    %mul3A_31 = arith.constant 2.000000e+00 : f32
    %mul3A_32 = vector.broadcast %mul3A_31 : f32 to vector<512x512xf32>
    %mul3A_33 = arith.mulf %mul3A_32, %dot_general3A_25 : vector<512x512xf32>
    %sub3A = vector.broadcast %broadcast_in_dim3A : vector<512x1xf32> to vector<512x512xf32>
    %sub3A_34 = arith.subf %sub3A, %mul3A_33 : vector<512x512xf32>
    %add3A = vector.broadcast %slice3A : vector<1x512xf32> to vector<512x512xf32>
    %add3A_35 = arith.addf %sub3A_34, %add3A : vector<512x512xf32>
    %max3A_36 = arith.constant 0.000000e+00 : f32
    %max3A_37 = vector.broadcast %max3A_36 : f32 to vector<512x512xf32>
    %max3A_38 = arith.maximumf %add3A_35, %max3A_37 : vector<512x512xf32>
    %sqrt3A_39 = math.sqrt %max3A_38 : vector<512x512xf32>
    %iota3A = tpu.iota {dimensions = array<i32: 0>} : vector<512x512xi32>
    %iota3A_40 = tpu.iota {dimensions = array<i32: 1>} : vector<512x512xi32>
    %lt3A = arith.cmpi slt, %iota3A_40, %iota3A : vector<512x512xi32>
    %reduce_sum3A_41 = vector.shape_cast %max3A_5 : vector<512x1xf32> to vector<1x512x1xf32>
    %reduce_sum3A_42 = arith.constant dense<0.000000e+00> : vector<1xf32>
    %reduce_sum3A_43 = vector.multi_reduction <add>, %reduce_sum3A_41, %reduce_sum3A_42 [1, 2] : vector<1x512x1xf32> to vector<1xf32>
    %reduce_sum3A_44 = vector.shape_cast %reduce_sum3A_43 : vector<1xf32> to vector<1x1x1xf32>
    %reduce_sum3A_45 = vector.extract %reduce_sum3A_44[0, 0, 0] : f32 from vector<1x1x1xf32>
    %div3A_46 = vector.broadcast %reduce_sum3A_45 : f32 to vector<512x1xf32>
    %div3A_47 = arith.divf %max3A_5, %div3A_46 : vector<512x1xf32>
    %neg3A = arith.constant 0.000000e+00 : f32
    %neg3A_48 = arith.constant 1.000000e+30 : f32
    %neg3A_49 = arith.subf %neg3A, %neg3A_48 : f32
    %broadcast_in_dim3A_50 = vector.broadcast %neg3A_49 : f32 to vector<512x512xf32>
    %select_n3A = arith.select %lt3A, %sqrt3A_39, %broadcast_in_dim3A_50 : vector<512x512xi1>, vector<512x512xf32>
    %reduce_max3A = vector.shape_cast %select_n3A : vector<512x512xf32> to vector<1x512x512xf32>
    %reduce_max3A_51 = arith.constant dense<0xFF800000> : vector<1xf32>
    %reduce_max3A_52 = vector.multi_reduction <maximumf>, %reduce_max3A, %reduce_max3A_51 [1, 2] : vector<1x512x512xf32> to vector<1xf32>
    %reduce_max3A_53 = vector.shape_cast %reduce_max3A_52 : vector<1xf32> to vector<1x1x1xf32>
    %reduce_max3A_54 = vector.extract %reduce_max3A_53[0, 0, 0] : f32 from vector<1x1x1xf32>
    %mul3A_55 = arith.constant 1.250000e-01 : f32
    %mul3A_56 = arith.mulf %mul3A_55, %reduce_max3A_54 : f32
    %mul3A_57 = arith.constant 1.250000e-01 : f32
    %mul3A_58 = arith.constant 7.64432479E-6 : f32
    %mul3A_59 = arith.mulf %mul3A_57, %mul3A_58 : f32
    %jit3A = arith.constant 0.000000e+00 : f32
    %broadcast_in_dim3A_60 = vector.broadcast %jit3A : f32 to vector<512x512xf32>
    %select_n3A_61 = arith.select %lt3A, %sqrt3A_39, %broadcast_in_dim3A_60 : vector<512x512xi1>, vector<512x512xf32>
    %reduce_sum3A_62 = vector.shape_cast %select_n3A_61 : vector<512x512xf32> to vector<1x512x512xf32>
    %reduce_sum3A_63 = arith.constant dense<0.000000e+00> : vector<1xf32>
    %reduce_sum3A_64 = vector.multi_reduction <add>, %reduce_sum3A_62, %reduce_sum3A_63 [1, 2] : vector<1x512x512xf32> to vector<1xf32>
    %reduce_sum3A_65 = vector.shape_cast %reduce_sum3A_64 : vector<1xf32> to vector<1x1x1xf32>
    %reduce_sum3A_66 = vector.extract %reduce_sum3A_65[0, 0, 0] : f32 from vector<1x1x1xf32>
    %mul3A_67 = arith.mulf %mul3A_59, %reduce_sum3A_66 : f32
    %jit3A_68 = arith.constant 1.000000e+30 : f32
    %broadcast_in_dim3A_69 = vector.broadcast %jit3A_68 : f32 to vector<512x512xf32>
    %select_n3A_70 = arith.select %lt3A, %sqrt3A_39, %broadcast_in_dim3A_69 : vector<512x512xi1>, vector<512x512xf32>
    %reduce_min3A = vector.shape_cast %select_n3A_70 : vector<512x512xf32> to vector<1x512x512xf32>
    %reduce_min3A_71 = arith.constant dense<0x7F800000> : vector<1xf32>
    %reduce_min3A_72 = vector.multi_reduction <minimumf>, %reduce_min3A, %reduce_min3A_71 [1, 2] : vector<1x512x512xf32> to vector<1xf32>
    %reduce_min3A_73 = vector.shape_cast %reduce_min3A_72 : vector<1xf32> to vector<1x1x1xf32>
    %reduce_min3A_74 = vector.extract %reduce_min3A_73[0, 0, 0] : f32 from vector<1x1x1xf32>
    %mul3A_75 = arith.constant 1.250000e-01 : f32
    %mul3A_76 = arith.mulf %mul3A_75, %reduce_min3A_74 : f32
    %neg3A_77 = arith.constant 0.000000e+00 : f32
    %neg3A_78 = vector.broadcast %neg3A_77 : f32 to vector<512x1xf32>
    %neg3A_79 = arith.subf %neg3A_78, %div3A_47 : vector<512x1xf32>
    %log3A = math.log %div3A_47 : vector<512x1xf32>
    %mul3A_80 = arith.mulf %neg3A_79, %log3A : vector<512x1xf32>
    %reduce_sum3A_81 = vector.shape_cast %mul3A_80 : vector<512x1xf32> to vector<1x512x1xf32>
    %reduce_sum3A_82 = arith.constant dense<0.000000e+00> : vector<1xf32>
    %reduce_sum3A_83 = vector.multi_reduction <add>, %reduce_sum3A_81, %reduce_sum3A_82 [1, 2] : vector<1x512x1xf32> to vector<1xf32>
    %reduce_sum3A_84 = vector.shape_cast %reduce_sum3A_83 : vector<1xf32> to vector<1x1x1xf32>
    %reduce_sum3A_85 = vector.extract %reduce_sum3A_84[0, 0, 0] : f32 from vector<1x1x1xf32>
    %mul3A_86 = arith.constant 1.250000e-01 : f32
    %mul3A_87 = arith.mulf %mul3A_86, %reduce_sum3A_85 : f32
    %reduce_max3A_88 = vector.shape_cast %max3A_20 : vector<512x1xf32> to vector<1x512x1xf32>
    %reduce_max3A_89 = arith.constant dense<0xFF800000> : vector<1xf32>
    %reduce_max3A_90 = vector.multi_reduction <maximumf>, %reduce_max3A_88, %reduce_max3A_89 [1, 2] : vector<1x512x1xf32> to vector<1xf32>
    %reduce_max3A_91 = vector.shape_cast %reduce_max3A_90 : vector<1xf32> to vector<1x1x1xf32>
    %reduce_max3A_92 = vector.extract %reduce_max3A_91[0, 0, 0] : f32 from vector<1x1x1xf32>
    %mul3A_93 = arith.constant 1.250000e-01 : f32
    %mul3A_94 = arith.mulf %mul3A_93, %reduce_max3A_92 : f32
    %mul3A_95 = arith.constant 1.250000e-01 : f32
    %mul3A_96 = arith.constant 0.001953125 : f32
    %mul3A_97 = arith.mulf %mul3A_95, %mul3A_96 : f32
    %reduce_sum3A_98 = vector.shape_cast %max3A_20 : vector<512x1xf32> to vector<1x512x1xf32>
    %reduce_sum3A_99 = arith.constant dense<0.000000e+00> : vector<1xf32>
    %reduce_sum3A_100 = vector.multi_reduction <add>, %reduce_sum3A_98, %reduce_sum3A_99 [1, 2] : vector<1x512x1xf32> to vector<1xf32>
    %reduce_sum3A_101 = vector.shape_cast %reduce_sum3A_100 : vector<1xf32> to vector<1x1x1xf32>
    %reduce_sum3A_102 = vector.extract %reduce_sum3A_101[0, 0, 0] : f32 from vector<1x1x1xf32>
    %mul3A_103 = arith.mulf %mul3A_97, %reduce_sum3A_102 : f32
    %reduce_min3A_104 = vector.shape_cast %max3A_20 : vector<512x1xf32> to vector<1x512x1xf32>
    %reduce_min3A_105 = arith.constant dense<0x7F800000> : vector<1xf32>
    %reduce_min3A_106 = vector.multi_reduction <minimumf>, %reduce_min3A_104, %reduce_min3A_105 [1, 2] : vector<1x512x1xf32> to vector<1xf32>
    %reduce_min3A_107 = vector.shape_cast %reduce_min3A_106 : vector<1xf32> to vector<1x1x1xf32>
    %reduce_min3A_108 = vector.extract %reduce_min3A_107[0, 0, 0] : f32 from vector<1x1x1xf32>
    %mul3A_109 = arith.constant 1.250000e-01 : f32
    %mul3A_110 = arith.mulf %mul3A_109, %reduce_min3A_108 : f32
    %neg3A_111 = arith.constant 0.000000e+00 : f32
    %neg3A_112 = arith.constant 1.000000e+30 : f32
    %neg3A_113 = arith.subf %neg3A_111, %neg3A_112 : f32
    %broadcast_in_dim3A_114 = vector.broadcast %neg3A_113 : f32 to vector<512x512xf32>
    %select_n3A_115 = arith.select %lt3A, %dot_general3A_23, %broadcast_in_dim3A_114 : vector<512x512xi1>, vector<512x512xf32>
    %reduce_max3A_116 = vector.shape_cast %select_n3A_115 : vector<512x512xf32> to vector<1x512x512xf32>
    %reduce_max3A_117 = arith.constant dense<0xFF800000> : vector<1xf32>
    %reduce_max3A_118 = vector.multi_reduction <maximumf>, %reduce_max3A_116, %reduce_max3A_117 [1, 2] : vector<1x512x512xf32> to vector<1xf32>
    %reduce_max3A_119 = vector.shape_cast %reduce_max3A_118 : vector<1xf32> to vector<1x1x1xf32>
    %reduce_max3A_120 = vector.extract %reduce_max3A_119[0, 0, 0] : f32 from vector<1x1x1xf32>
    %mul3A_121 = arith.constant 1.250000e-01 : f32
    %mul3A_122 = arith.mulf %mul3A_121, %reduce_max3A_120 : f32
    %mul3A_123 = arith.constant 1.250000e-01 : f32
    %mul3A_124 = arith.constant 7.64432479E-6 : f32
    %mul3A_125 = arith.mulf %mul3A_123, %mul3A_124 : f32
    %jit3A_126 = arith.constant 0.000000e+00 : f32
    %broadcast_in_dim3A_127 = vector.broadcast %jit3A_126 : f32 to vector<512x512xf32>
    %select_n3A_128 = arith.select %lt3A, %dot_general3A_23, %broadcast_in_dim3A_127 : vector<512x512xi1>, vector<512x512xf32>
    %reduce_sum3A_129 = vector.shape_cast %select_n3A_128 : vector<512x512xf32> to vector<1x512x512xf32>
    %reduce_sum3A_130 = arith.constant dense<0.000000e+00> : vector<1xf32>
    %reduce_sum3A_131 = vector.multi_reduction <add>, %reduce_sum3A_129, %reduce_sum3A_130 [1, 2] : vector<1x512x512xf32> to vector<1xf32>
    %reduce_sum3A_132 = vector.shape_cast %reduce_sum3A_131 : vector<1xf32> to vector<1x1x1xf32>
    %reduce_sum3A_133 = vector.extract %reduce_sum3A_132[0, 0, 0] : f32 from vector<1x1x1xf32>
    %mul3A_134 = arith.mulf %mul3A_125, %reduce_sum3A_133 : f32
    %jit3A_135 = arith.constant 1.000000e+30 : f32
    %broadcast_in_dim3A_136 = vector.broadcast %jit3A_135 : f32 to vector<512x512xf32>
    %select_n3A_137 = arith.select %lt3A, %dot_general3A_23, %broadcast_in_dim3A_136 : vector<512x512xi1>, vector<512x512xf32>
    %reduce_min3A_138 = vector.shape_cast %select_n3A_137 : vector<512x512xf32> to vector<1x512x512xf32>
    %reduce_min3A_139 = arith.constant dense<0x7F800000> : vector<1xf32>
    %reduce_min3A_140 = vector.multi_reduction <minimumf>, %reduce_min3A_138, %reduce_min3A_139 [1, 2] : vector<1x512x512xf32> to vector<1xf32>
    %reduce_min3A_141 = vector.shape_cast %reduce_min3A_140 : vector<1xf32> to vector<1x1x1xf32>
    %reduce_min3A_142 = vector.extract %reduce_min3A_141[0, 0, 0] : f32 from vector<1x1x1xf32>
    %mul3A_143 = arith.constant 1.250000e-01 : f32
    %mul3A_144 = arith.mulf %mul3A_143, %reduce_min3A_142 : f32
    %lt3A_145 = arith.constant 1.000000e+00 : f32
    %lt3A_146 = vector.broadcast %lt3A_145 : f32 to vector<512x1xf32>
    %lt3A_147 = arith.cmpf olt, %max3A_5, %lt3A_146 : vector<512x1xf32>
    %gt3A = arith.constant 1.000000e+06 : f32
    %gt3A_148 = vector.broadcast %gt3A : f32 to vector<512x1xf32>
    %gt3A_149 = arith.cmpf ogt, %max3A_5, %gt3A_148 : vector<512x1xf32>
    %or3A = arith.ori %lt3A_147, %gt3A_149 : vector<512x1xi1>
    %jit3A_150 = arith.constant 1.000000e+00 : f32
    %jit3A_151 = arith.constant 0.000000e+00 : f32
    %broadcast_in_dim3A_152 = vector.broadcast %jit3A_150 : f32 to vector<512x1xf32>
    %broadcast_in_dim3A_153 = vector.broadcast %jit3A_151 : f32 to vector<512x1xf32>
    %select_n3A_154 = arith.select %or3A, %broadcast_in_dim3A_152, %broadcast_in_dim3A_153 : vector<512x1xi1>, vector<512x1xf32>
    %reduce_sum3A_155 = vector.shape_cast %select_n3A_154 : vector<512x1xf32> to vector<1x512x1xf32>
    %reduce_sum3A_156 = arith.constant dense<0.000000e+00> : vector<1xf32>
    %reduce_sum3A_157 = vector.multi_reduction <add>, %reduce_sum3A_155, %reduce_sum3A_156 [1, 2] : vector<1x512x1xf32> to vector<1xf32>
    %reduce_sum3A_158 = vector.shape_cast %reduce_sum3A_157 : vector<1xf32> to vector<1x1x1xf32>
    %reduce_sum3A_159 = vector.extract %reduce_sum3A_158[0, 0, 0] : f32 from vector<1x1x1xf32>
    %mul3A_160 = arith.constant 1.250000e-01 : f32
    %mul3A_161 = arith.mulf %mul3A_160, %reduce_sum3A_159 : f32
    %reduce_max3A_162 = vector.shape_cast %max3A_5 : vector<512x1xf32> to vector<1x512x1xf32>
    %reduce_max3A_163 = arith.constant dense<0xFF800000> : vector<1xf32>
    %reduce_max3A_164 = vector.multi_reduction <maximumf>, %reduce_max3A_162, %reduce_max3A_163 [1, 2] : vector<1x512x1xf32> to vector<1xf32>
    %reduce_max3A_165 = vector.shape_cast %reduce_max3A_164 : vector<1xf32> to vector<1x1x1xf32>
    %reduce_max3A_166 = vector.extract %reduce_max3A_165[0, 0, 0] : f32 from vector<1x1x1xf32>
    %mul3A_167 = arith.constant 1.250000e-01 : f32
    %mul3A_168 = arith.mulf %mul3A_167, %reduce_max3A_166 : f32
    %mul3A_169 = arith.constant 1.250000e-01 : f32
    %mul3A_170 = arith.constant 0.001953125 : f32
    %mul3A_171 = arith.mulf %mul3A_169, %mul3A_170 : f32
    %reduce_sum3A_172 = vector.shape_cast %max3A_5 : vector<512x1xf32> to vector<1x512x1xf32>
    %reduce_sum3A_173 = arith.constant dense<0.000000e+00> : vector<1xf32>
    %reduce_sum3A_174 = vector.multi_reduction <add>, %reduce_sum3A_172, %reduce_sum3A_173 [1, 2] : vector<1x512x1xf32> to vector<1xf32>
    %reduce_sum3A_175 = vector.shape_cast %reduce_sum3A_174 : vector<1xf32> to vector<1x1x1xf32>
    %reduce_sum3A_176 = vector.extract %reduce_sum3A_175[0, 0, 0] : f32 from vector<1x1x1xf32>
    %mul3A_177 = arith.mulf %mul3A_171, %reduce_sum3A_176 : f32
    %reduce_min3A_178 = vector.shape_cast %max3A_5 : vector<512x1xf32> to vector<1x512x1xf32>
    %reduce_min3A_179 = arith.constant dense<0x7F800000> : vector<1xf32>
    %reduce_min3A_180 = vector.multi_reduction <minimumf>, %reduce_min3A_178, %reduce_min3A_179 [1, 2] : vector<1x512x1xf32> to vector<1xf32>
    %reduce_min3A_181 = vector.shape_cast %reduce_min3A_180 : vector<1xf32> to vector<1x1x1xf32>
    %reduce_min3A_182 = vector.extract %reduce_min3A_181[0, 0, 0] : f32 from vector<1x1x1xf32>
    %mul3A_183 = arith.constant 1.250000e-01 : f32
    %mul3A_184 = arith.mulf %mul3A_183, %reduce_min3A_182 : f32
    %stack3A = arith.constant 0.000000e+00 : f32
    %stack3A_185 = arith.constant 0.000000e+00 : f32
    %stack3A_186 = arith.constant 0.000000e+00 : f32
    %stack3A_187 = arith.constant 0.000000e+00 : f32
    %stack3A_188 = arith.constant 0.000000e+00 : f32
    %stack3A_189 = arith.constant 0.000000e+00 : f32
    %stack3A_190 = arith.constant 0.000000e+00 : f32
    %stack3A_191 = arith.constant 0.000000e+00 : f32
    %stack3A_192 = arith.constant 0.000000e+00 : f32
    %stack3A_193 = arith.constant 0.000000e+00 : f32
    %stack3A_194 = arith.constant 0.000000e+00 : f32
    %stack3A_195 = arith.constant 0.000000e+00 : f32
    %stack3A_196 = arith.constant 0.000000e+00 : f32
    %stack3A_197 = arith.constant 0.000000e+00 : f32
    %stack3A_198 = arith.constant 0.000000e+00 : f32
    %stack3A_199 = arith.constant 0.000000e+00 : f32
    %stack3A_200 = arith.constant 0.000000e+00 : f32
    %stack3A_201 = arith.constant 0.000000e+00 : f32
    %stack3A_202 = vector.broadcast %stack3A : f32 to vector<1xf32>
    %stack3A_203 = vector.broadcast %mul3A_56 : f32 to vector<1xf32>
    %stack3A_204 = vector.broadcast %mul3A_67 : f32 to vector<1xf32>
    %stack3A_205 = vector.broadcast %mul3A_76 : f32 to vector<1xf32>
    %stack3A_206 = vector.broadcast %mul3A_87 : f32 to vector<1xf32>
    %stack3A_207 = vector.broadcast %mul3A_94 : f32 to vector<1xf32>
    %stack3A_208 = vector.broadcast %mul3A_103 : f32 to vector<1xf32>
    %stack3A_209 = vector.broadcast %mul3A_110 : f32 to vector<1xf32>
    %stack3A_210 = vector.broadcast %mul3A_122 : f32 to vector<1xf32>
    %stack3A_211 = vector.broadcast %mul3A_134 : f32 to vector<1xf32>
    %stack3A_212 = vector.broadcast %mul3A_144 : f32 to vector<1xf32>
    %stack3A_213 = vector.broadcast %mul3A_161 : f32 to vector<1xf32>
    %stack3A_214 = vector.broadcast %mul3A_168 : f32 to vector<1xf32>
    %stack3A_215 = vector.broadcast %mul3A_177 : f32 to vector<1xf32>
    %stack3A_216 = vector.broadcast %mul3A_184 : f32 to vector<1xf32>
    %stack3A_217 = vector.broadcast %stack3A_185 : f32 to vector<1xf32>
    %stack3A_218 = vector.broadcast %stack3A_186 : f32 to vector<1xf32>
    %stack3A_219 = vector.broadcast %stack3A_187 : f32 to vector<1xf32>
    %stack3A_220 = vector.broadcast %stack3A_188 : f32 to vector<1xf32>
    %stack3A_221 = vector.broadcast %stack3A_189 : f32 to vector<1xf32>
    %stack3A_222 = vector.broadcast %stack3A_190 : f32 to vector<1xf32>
    %stack3A_223 = vector.broadcast %stack3A_191 : f32 to vector<1xf32>
    %stack3A_224 = vector.broadcast %stack3A_192 : f32 to vector<1xf32>
    %stack3A_225 = vector.broadcast %stack3A_193 : f32 to vector<1xf32>
    %stack3A_226 = vector.broadcast %stack3A_194 : f32 to vector<1xf32>
    %stack3A_227 = vector.broadcast %stack3A_195 : f32 to vector<1xf32>
    %stack3A_228 = vector.broadcast %stack3A_196 : f32 to vector<1xf32>
    %stack3A_229 = vector.broadcast %stack3A_197 : f32 to vector<1xf32>
    %stack3A_230 = vector.broadcast %stack3A_198 : f32 to vector<1xf32>
    %stack3A_231 = vector.broadcast %stack3A_199 : f32 to vector<1xf32>
    %stack3A_232 = vector.broadcast %stack3A_200 : f32 to vector<1xf32>
    %stack3A_233 = vector.broadcast %stack3A_201 : f32 to vector<1xf32>
    %stack3A_234 = tpu.concatenate %stack3A_202, %stack3A_203, %stack3A_204, %stack3A_205, %stack3A_206, %stack3A_207, %stack3A_208, %stack3A_209, %stack3A_210, %stack3A_211, %stack3A_212, %stack3A_213, %stack3A_214, %stack3A_215, %stack3A_216, %stack3A_217, %stack3A_218, %stack3A_219, %stack3A_220, %stack3A_221, %stack3A_222, %stack3A_223, %stack3A_224, %stack3A_225, %stack3A_226, %stack3A_227, %stack3A_228, %stack3A_229, %stack3A_230, %stack3A_231, %stack3A_232, %stack3A_233 in 0 : vector<1xf32>, vector<1xf32>, vector<1xf32>, vector<1xf32>, vector<1xf32>, vector<1xf32>, vector<1xf32>, vector<1xf32>, vector<1xf32>, vector<1xf32>, vector<1xf32>, vector<1xf32>, vector<1xf32>, vector<1xf32>, vector<1xf32>, vector<1xf32>, vector<1xf32>, vector<1xf32>, vector<1xf32>, vector<1xf32>, vector<1xf32>, vector<1xf32>, vector<1xf32>, vector<1xf32>, vector<1xf32>, vector<1xf32>, vector<1xf32>, vector<1xf32>, vector<1xf32>, vector<1xf32>, vector<1xf32>, vector<1xf32> -> vector<32xf32>
    %swap3A_235 = arith.constant 0 : index
    %swap3A_236 = arith.constant 0 : index
    %swap3A_237 = arith.constant 0 : index
    %swap3A_238 = vector.load %arg4[%swap3A_235, %swap3A_236, %swap3A_237] : memref<1x1x32xf32, #tpu.memory_space<vmem>>, vector<1x1x32xf32>
    %swap3A_239 = vector.shape_cast %swap3A_238 : vector<1x1x32xf32> to vector<32xf32>
    %swap3A_240 = vector.shape_cast %stack3A_234 : vector<32xf32> to vector<1x1x32xf32>
    tpu.vector_store %arg4[%swap3A_235, %swap3A_236, %swap3A_237], %swap3A_240 {strides = array<i32>} : memref<1x1x32xf32, #tpu.memory_space<vmem>>, vector<1x1x32xf32>,
    return
  }
  func.func @transform_0(%arg0: i32) -> (i32, i32, i32) {
    %c0_i32 = arith.constant 0 : i32
    %c0_i32_0 = arith.constant 0 : i32
    %c0_i32_1 = arith.constant 0 : i32
    return %arg0, %c0_i32, %c0_i32_0 : i32, i32, i32
  }
  func.func @transform_1(%arg0: i32) -> (i32, i32, i32) {
    %c0_i32 = arith.constant 0 : i32
    %c0_i32_0 = arith.constant 0 : i32
    %c0_i32_1 = arith.constant 0 : i32
    return %arg0, %c0_i32, %c0_i32_0 : i32, i32, i32
  }
  func.func @transform_2(%arg0: i32) -> (i32, i32, i32) {
    %c0_i32 = arith.constant 0 : i32
    %c0_i32_0 = arith.constant 0 : i32
    %c0_i32_1 = arith.constant 0 : i32
    return %arg0, %c0_i32, %c0_i32_0 : i32, i32, i32
  }
  func.func @transform_3(%arg0: i32) -> (i32, i32, i32) {
    %c0_i32 = arith.constant 0 : i32
    %c0_i32_0 = arith.constant 0 : i32
    %c0_i32_1 = arith.constant 0 : i32
    return %arg0, %c0_i32, %c0_i32_0 : i32, i32, i32
  }
}

module attributes {stable_mosaic.version = 14 : i64} {
  func.func @_main_body(%arg0: i32, %arg1: memref<1x512x32xf32, #tpu.memory_space<vmem>>, %arg2: memref<1x2048x32xf32, #tpu.memory_space<vmem>>, %arg3: memref<1x16x128xf32, #tpu.memory_space<vmem>>, %arg4: memref<1x16x128xi32, #tpu.memory_space<vmem>>, %arg5: memref<1x16x128xi32, #tpu.memory_space<vmem>>, %arg6: memref<1x16x128xf32, #tpu.memory_space<vmem>>, %arg7: memref<1x1x32xf32, #tpu.memory_space<vmem>>) attributes {dimension_semantics = [#tpu.dimension_semantics<parallel>], iteration_bounds = array<i64: 32>, scalar_prefetch = 0 : i64, scratch_operands = 0 : i64, tpu.core_type = #tpu.core_type<tc>, window_params = [{transform_indices = @transform_0, window_bounds = array<i64: 1, 512, 32>}, {transform_indices = @transform_1, window_bounds = array<i64: 1, 2048, 32>}, {transform_indices = @transform_2, window_bounds = array<i64: 1, 16, 128>}, {transform_indices = @transform_3, window_bounds = array<i64: 1, 16, 128>}, {transform_indices = @transform_4, window_bounds = array<i64: 1, 16, 128>}, {transform_indices = @transform_5, window_bounds = array<i64: 1, 16, 128>}, {transform_indices = @transform_6, window_bounds = array<i64: 1, 1, 32>}]} {
    %div3A = arith.constant 4 : i32
    %div3A_0 = arith.divsi %arg0, %div3A : i32
    %get3A = arith.constant 0 : index
    %get3A_1 = arith.constant 0 : index
    %get3A_2 = arith.constant 0 : index
    %get3A_3 = vector.load %arg2[%get3A, %get3A_1, %get3A_2] : memref<1x2048x32xf32, #tpu.memory_space<vmem>>, vector<1x2048x32xf32>
    %get3A_4 = vector.shape_cast %get3A_3 : vector<1x2048x32xf32> to vector<2048x32xf32>
    %get3A_5 = arith.constant 0 : index
    %get3A_6 = arith.constant 0 : index
    %get3A_7 = arith.constant 0 : index
    %get3A_8 = vector.load %arg1[%get3A_5, %get3A_6, %get3A_7] : memref<1x512x32xf32, #tpu.memory_space<vmem>>, vector<1x512x32xf32>
    %get3A_9 = vector.shape_cast %get3A_8 : vector<1x512x32xf32> to vector<512x32xf32>
    %mul3A = arith.mulf %get3A_4, %get3A_4 : vector<2048x32xf32>
    %reduce_sum3A = arith.constant dense<0.000000e+00> : vector<2048xf32>
    %reduce_sum3A_10 = vector.multi_reduction <add>, %mul3A, %reduce_sum3A [1] : vector<2048x32xf32> to vector<2048xf32>
    %broadcast_in_dim3A = vector.shape_cast %reduce_sum3A_10 : vector<2048xf32> to vector<2048x1xf32>
    %broadcast_in_dim3A_11 = arith.constant 1.000000e+00 : f32
    %broadcast_in_dim3A_12 = vector.broadcast %broadcast_in_dim3A_11 : f32 to vector<8x32xf32>
    %mul3A_13 = arith.mulf %get3A_9, %get3A_9 : vector<512x32xf32>
    %dot_general3A = arith.constant dense<0.000000e+00> : vector<8x512xf32>
    %dot_general3A_14 = tpu.matmul %broadcast_in_dim3A_12, %mul3A_13, %dot_general3A {dimension_numbers = #tpu.dot_dimension_numbers<[1], [1], [0], [0], [0, 0, 1, 0], [], []>, precision = #tpu.contract_precision<fp32>, transpose_lhs_hint = false} : vector<8x32xf32>, vector<512x32xf32>, vector<8x512xf32> -> vector<8x512xf32>
    %slice3A = vector.extract_strided_slice %dot_general3A_14 {offsets = [0, 0], sizes = [1, 512], strides = [1, 1]} : vector<8x512xf32> to vector<1x512xf32>
    %dot_general3A_15 = arith.constant dense<0.000000e+00> : vector<2048x512xf32>
    %dot_general3A_16 = tpu.matmul %get3A_4, %get3A_9, %dot_general3A_15 {dimension_numbers = #tpu.dot_dimension_numbers<[1], [1], [0], [0], [0, 0, 1, 0], [], []>, transpose_lhs_hint = false} : vector<2048x32xf32>, vector<512x32xf32>, vector<2048x512xf32> -> vector<2048x512xf32>
    %mul3A_17 = arith.constant 2.000000e+00 : f32
    %mul3A_18 = vector.broadcast %mul3A_17 : f32 to vector<2048x512xf32>
    %mul3A_19 = arith.mulf %mul3A_18, %dot_general3A_16 : vector<2048x512xf32>
    %sub3A = vector.broadcast %broadcast_in_dim3A : vector<2048x1xf32> to vector<2048x512xf32>
    %sub3A_20 = arith.subf %sub3A, %mul3A_19 : vector<2048x512xf32>
    %add3A = vector.broadcast %slice3A : vector<1x512xf32> to vector<2048x512xf32>
    %add3A_21 = arith.addf %sub3A_20, %add3A : vector<2048x512xf32>
    %reduce_min3A = arith.constant dense<0x7F800000> : vector<2048xf32>
    %reduce_min3A_22 = vector.multi_reduction <minimumf>, %add3A_21, %reduce_min3A [1] : vector<2048x512xf32> to vector<2048xf32>
    %broadcast_in_dim3A_23 = vector.shape_cast %reduce_min3A_22 : vector<2048xf32> to vector<2048x1xf32>
    %eq3A = vector.broadcast %broadcast_in_dim3A_23 : vector<2048x1xf32> to vector<2048x512xf32>
    %eq3A_24 = arith.cmpf oeq, %add3A_21, %eq3A : vector<2048x512xf32>
    %iota3A = tpu.iota {dimensions = array<i32: 1>} : vector<2048x512xi32>
    %jit3A = arith.constant 512 : i32
    %broadcast_in_dim3A_25 = vector.broadcast %jit3A : i32 to vector<2048x512xi32>
    %select_n3A = arith.select %eq3A_24, %iota3A, %broadcast_in_dim3A_25 : vector<2048x512xi1>, vector<2048x512xi32>
    %reduce_min3A_26 = arith.constant dense<2147483647> : vector<2048xi32>
    %reduce_min3A_27 = vector.multi_reduction <minsi>, %select_n3A, %reduce_min3A_26 [1] : vector<2048x512xi32> to vector<2048xi32>
    %broadcast_in_dim3A_28 = vector.shape_cast %reduce_min3A_27 : vector<2048xi32> to vector<2048x1xi32>
    %max3A = arith.constant 0.000000e+00 : f32
    %max3A_29 = vector.broadcast %max3A : f32 to vector<2048x1xf32>
    %max3A_30 = arith.maximumf %broadcast_in_dim3A_23, %max3A_29 : vector<2048x1xf32>
    %jit3A_31 = arith.constant 1.000000e+00 : f32
    %jit3A_32 = arith.constant 0.000000e+00 : f32
    %broadcast_in_dim3A_33 = vector.broadcast %jit3A_31 : f32 to vector<2048x512xf32>
    %broadcast_in_dim3A_34 = vector.broadcast %jit3A_32 : f32 to vector<2048x512xf32>
    %select_n3A_35 = arith.select %eq3A_24, %broadcast_in_dim3A_33, %broadcast_in_dim3A_34 : vector<2048x512xi1>, vector<2048x512xf32>
    %broadcast_in_dim3A_36 = arith.constant 1.000000e+00 : f32
    %broadcast_in_dim3A_37 = vector.broadcast %broadcast_in_dim3A_36 : f32 to vector<8x2048xf32>
    %dot_general3A_38 = arith.constant dense<0.000000e+00> : vector<8x512xf32>
    %dot_general3A_39 = tpu.matmul %broadcast_in_dim3A_37, %select_n3A_35, %dot_general3A_38 {dimension_numbers = #tpu.dot_dimension_numbers<[1], [0], [0], [1], [0, 0, 1, 1], [], []>, transpose_lhs_hint = false} : vector<8x2048xf32>, vector<2048x512xf32>, vector<8x512xf32> -> vector<8x512xf32>
    %slice3A_40 = vector.extract_strided_slice %dot_general3A_39 {offsets = [0, 0], sizes = [1, 512], strides = [1, 1]} : vector<8x512xf32> to vector<1x512xf32>
    %sqrt3A = math.sqrt %slice3A : vector<1x512xf32>
    %max3A_41 = arith.constant 0.00999999977 : f32
    %max3A_42 = vector.broadcast %max3A_41 : f32 to vector<1x512xf32>
    %max3A_43 = arith.maximumf %sqrt3A, %max3A_42 : vector<1x512xf32>
    %mul3A_44 = arith.mulf %slice3A_40, %max3A_43 : vector<1x512xf32>
    %reduce_sum3A_45 = vector.shape_cast %mul3A_44 : vector<1x512xf32> to vector<1x1x512xf32>
    %reduce_sum3A_46 = arith.constant dense<0.000000e+00> : vector<1xf32>
    %reduce_sum3A_47 = vector.multi_reduction <add>, %reduce_sum3A_45, %reduce_sum3A_46 [1, 2] : vector<1x1x512xf32> to vector<1xf32>
    %reduce_sum3A_48 = vector.shape_cast %reduce_sum3A_47 : vector<1xf32> to vector<1x1x1xf32>
    %reduce_sum3A_49 = vector.extract %reduce_sum3A_48[0, 0, 0] : f32 from vector<1x1x1xf32>
    %reshape3A = vector.shape_cast %broadcast_in_dim3A_28 : vector<2048x1xi32> to vector<16x128xi32>
    %reshape3A_50 = vector.shape_cast %max3A_30 : vector<2048x1xf32> to vector<16x128xf32>
    %reshape3A_51 = vector.shape_cast %broadcast_in_dim3A : vector<2048x1xf32> to vector<16x128xf32>
    %sqrt3A_52 = math.sqrt %reshape3A_51 : vector<16x128xf32>
    %max3A_53 = arith.constant 0.00999999977 : f32
    %max3A_54 = vector.broadcast %max3A_53 : f32 to vector<16x128xf32>
    %max3A_55 = arith.maximumf %sqrt3A_52, %max3A_54 : vector<16x128xf32>
    %sqrt3A_56 = math.sqrt %reshape3A_50 : vector<16x128xf32>
    %div3A_57 = arith.divf %sqrt3A_56, %max3A_55 : vector<16x128xf32>
    %jit3A_58 = arith.constant 0.000000e+00 : f32
    %jit3A_59 = arith.constant 1.000000e+01 : f32
    %max3A_60 = vector.broadcast %jit3A_58 : f32 to vector<16x128xf32>
    %max3A_61 = arith.maximumf %max3A_60, %div3A_57 : vector<16x128xf32>
    %min3A = vector.broadcast %jit3A_59 : f32 to vector<16x128xf32>
    %min3A_62 = arith.minimumf %min3A, %max3A_61 : vector<16x128xf32>
    %get3A_63 = arith.constant 0 : index
    %get3A_64 = arith.constant 0 : index
    %get3A_65 = arith.constant 0 : index
    %get3A_66 = vector.load %arg3[%get3A_63, %get3A_64, %get3A_65] : memref<1x16x128xf32, #tpu.memory_space<vmem>>, vector<1x16x128xf32>
    %get3A_67 = vector.shape_cast %get3A_66 : vector<1x16x128xf32> to vector<16x128xf32>
    %mul3A_68 = arith.mulf %get3A_67, %reshape3A_50 : vector<16x128xf32>
    %reduce_sum3A_69 = vector.shape_cast %mul3A_68 : vector<16x128xf32> to vector<1x16x128xf32>
    %reduce_sum3A_70 = arith.constant dense<0.000000e+00> : vector<1xf32>
    %reduce_sum3A_71 = vector.multi_reduction <add>, %reduce_sum3A_69, %reduce_sum3A_70 [1, 2] : vector<1x16x128xf32> to vector<1xf32>
    %reduce_sum3A_72 = vector.shape_cast %reduce_sum3A_71 : vector<1xf32> to vector<1x1x1xf32>
    %reduce_sum3A_73 = vector.extract %reduce_sum3A_72[0, 0, 0] : f32 from vector<1x1x1xf32>
    %mul3A_74 = arith.constant 1.22070313E-4 : f32
    %mul3A_75 = arith.mulf %reduce_sum3A_73, %mul3A_74 : f32
    %reduce_max3A = vector.shape_cast %min3A_62 : vector<16x128xf32> to vector<1x16x128xf32>
    %reduce_max3A_76 = arith.constant dense<0xFF800000> : vector<1xf32>
    %reduce_max3A_77 = vector.multi_reduction <maximumf>, %reduce_max3A, %reduce_max3A_76 [1, 2] : vector<1x16x128xf32> to vector<1xf32>
    %reduce_max3A_78 = vector.shape_cast %reduce_max3A_77 : vector<1xf32> to vector<1x1x1xf32>
    %reduce_max3A_79 = vector.extract %reduce_max3A_78[0, 0, 0] : f32 from vector<1x1x1xf32>
    %mul3A_80 = arith.constant 3.125000e-02 : f32
    %mul3A_81 = arith.mulf %mul3A_80, %reduce_max3A_79 : f32
    %reduce_sum3A_82 = vector.shape_cast %min3A_62 : vector<16x128xf32> to vector<1x16x128xf32>
    %reduce_sum3A_83 = arith.constant dense<0.000000e+00> : vector<1xf32>
    %reduce_sum3A_84 = vector.multi_reduction <add>, %reduce_sum3A_82, %reduce_sum3A_83 [1, 2] : vector<1x16x128xf32> to vector<1xf32>
    %reduce_sum3A_85 = vector.shape_cast %reduce_sum3A_84 : vector<1xf32> to vector<1x1x1xf32>
    %reduce_sum3A_86 = vector.extract %reduce_sum3A_85[0, 0, 0] : f32 from vector<1x1x1xf32>
    %mul3A_87 = arith.constant 1.52587891E-5 : f32
    %mul3A_88 = arith.mulf %mul3A_87, %reduce_sum3A_86 : f32
    %reduce_min3A_89 = vector.shape_cast %min3A_62 : vector<16x128xf32> to vector<1x16x128xf32>
    %reduce_min3A_90 = arith.constant dense<0x7F800000> : vector<1xf32>
    %reduce_min3A_91 = vector.multi_reduction <minimumf>, %reduce_min3A_89, %reduce_min3A_90 [1, 2] : vector<1x16x128xf32> to vector<1xf32>
    %reduce_min3A_92 = vector.shape_cast %reduce_min3A_91 : vector<1xf32> to vector<1x1x1xf32>
    %reduce_min3A_93 = vector.extract %reduce_min3A_92[0, 0, 0] : f32 from vector<1x1x1xf32>
    %mul3A_94 = arith.constant 3.125000e-02 : f32
    %mul3A_95 = arith.mulf %mul3A_94, %reduce_min3A_93 : f32
    %mul3A_96 = arith.constant 1.52587891E-5 : f32
    %mul3A_97 = arith.mulf %mul3A_96, %reduce_sum3A_49 : f32
    %reduce_sum3A_98 = vector.shape_cast %max3A_55 : vector<16x128xf32> to vector<1x16x128xf32>
    %reduce_sum3A_99 = arith.constant dense<0.000000e+00> : vector<1xf32>
    %reduce_sum3A_100 = vector.multi_reduction <add>, %reduce_sum3A_98, %reduce_sum3A_99 [1, 2] : vector<1x16x128xf32> to vector<1xf32>
    %reduce_sum3A_101 = vector.shape_cast %reduce_sum3A_100 : vector<1xf32> to vector<1x1x1xf32>
    %reduce_sum3A_102 = vector.extract %reduce_sum3A_101[0, 0, 0] : f32 from vector<1x1x1xf32>
    %mul3A_103 = arith.constant 1.52587891E-5 : f32
    %mul3A_104 = arith.mulf %mul3A_103, %reduce_sum3A_102 : f32
    %stack3A = arith.constant 0.000000e+00 : f32
    %stack3A_105 = arith.constant 0.000000e+00 : f32
    %stack3A_106 = arith.constant 0.000000e+00 : f32
    %stack3A_107 = arith.constant 0.000000e+00 : f32
    %stack3A_108 = arith.constant 0.000000e+00 : f32
    %stack3A_109 = arith.constant 0.000000e+00 : f32
    %stack3A_110 = arith.constant 0.000000e+00 : f32
    %stack3A_111 = arith.constant 0.000000e+00 : f32
    %stack3A_112 = arith.constant 0.000000e+00 : f32
    %stack3A_113 = arith.constant 0.000000e+00 : f32
    %stack3A_114 = arith.constant 0.000000e+00 : f32
    %stack3A_115 = arith.constant 0.000000e+00 : f32
    %stack3A_116 = arith.constant 0.000000e+00 : f32
    %stack3A_117 = arith.constant 0.000000e+00 : f32
    %stack3A_118 = arith.constant 0.000000e+00 : f32
    %stack3A_119 = arith.constant 0.000000e+00 : f32
    %stack3A_120 = arith.constant 0.000000e+00 : f32
    %stack3A_121 = arith.constant 0.000000e+00 : f32
    %stack3A_122 = arith.constant 0.000000e+00 : f32
    %stack3A_123 = arith.constant 0.000000e+00 : f32
    %stack3A_124 = arith.constant 0.000000e+00 : f32
    %stack3A_125 = arith.constant 0.000000e+00 : f32
    %stack3A_126 = arith.constant 0.000000e+00 : f32
    %stack3A_127 = arith.constant 0.000000e+00 : f32
    %stack3A_128 = arith.constant 0.000000e+00 : f32
    %stack3A_129 = arith.constant 0.000000e+00 : f32
    %stack3A_130 = vector.broadcast %mul3A_75 : f32 to vector<1xf32>
    %stack3A_131 = vector.broadcast %stack3A : f32 to vector<1xf32>
    %stack3A_132 = vector.broadcast %stack3A_105 : f32 to vector<1xf32>
    %stack3A_133 = vector.broadcast %stack3A_106 : f32 to vector<1xf32>
    %stack3A_134 = vector.broadcast %stack3A_107 : f32 to vector<1xf32>
    %stack3A_135 = vector.broadcast %stack3A_108 : f32 to vector<1xf32>
    %stack3A_136 = vector.broadcast %stack3A_109 : f32 to vector<1xf32>
    %stack3A_137 = vector.broadcast %stack3A_110 : f32 to vector<1xf32>
    %stack3A_138 = vector.broadcast %stack3A_111 : f32 to vector<1xf32>
    %stack3A_139 = vector.broadcast %stack3A_112 : f32 to vector<1xf32>
    %stack3A_140 = vector.broadcast %stack3A_113 : f32 to vector<1xf32>
    %stack3A_141 = vector.broadcast %stack3A_114 : f32 to vector<1xf32>
    %stack3A_142 = vector.broadcast %stack3A_115 : f32 to vector<1xf32>
    %stack3A_143 = vector.broadcast %stack3A_116 : f32 to vector<1xf32>
    %stack3A_144 = vector.broadcast %stack3A_117 : f32 to vector<1xf32>
    %stack3A_145 = vector.broadcast %mul3A_81 : f32 to vector<1xf32>
    %stack3A_146 = vector.broadcast %mul3A_88 : f32 to vector<1xf32>
    %stack3A_147 = vector.broadcast %mul3A_95 : f32 to vector<1xf32>
    %stack3A_148 = vector.broadcast %mul3A_97 : f32 to vector<1xf32>
    %stack3A_149 = vector.broadcast %mul3A_104 : f32 to vector<1xf32>
    %stack3A_150 = vector.broadcast %stack3A_118 : f32 to vector<1xf32>
    %stack3A_151 = vector.broadcast %stack3A_119 : f32 to vector<1xf32>
    %stack3A_152 = vector.broadcast %stack3A_120 : f32 to vector<1xf32>
    %stack3A_153 = vector.broadcast %stack3A_121 : f32 to vector<1xf32>
    %stack3A_154 = vector.broadcast %stack3A_122 : f32 to vector<1xf32>
    %stack3A_155 = vector.broadcast %stack3A_123 : f32 to vector<1xf32>
    %stack3A_156 = vector.broadcast %stack3A_124 : f32 to vector<1xf32>
    %stack3A_157 = vector.broadcast %stack3A_125 : f32 to vector<1xf32>
    %stack3A_158 = vector.broadcast %stack3A_126 : f32 to vector<1xf32>
    %stack3A_159 = vector.broadcast %stack3A_127 : f32 to vector<1xf32>
    %stack3A_160 = vector.broadcast %stack3A_128 : f32 to vector<1xf32>
    %stack3A_161 = vector.broadcast %stack3A_129 : f32 to vector<1xf32>
    %stack3A_162 = tpu.concatenate %stack3A_130, %stack3A_131, %stack3A_132, %stack3A_133, %stack3A_134, %stack3A_135, %stack3A_136, %stack3A_137, %stack3A_138, %stack3A_139, %stack3A_140, %stack3A_141, %stack3A_142, %stack3A_143, %stack3A_144, %stack3A_145, %stack3A_146, %stack3A_147, %stack3A_148, %stack3A_149, %stack3A_150, %stack3A_151, %stack3A_152, %stack3A_153, %stack3A_154, %stack3A_155, %stack3A_156, %stack3A_157, %stack3A_158, %stack3A_159, %stack3A_160, %stack3A_161 in 0 : vector<1xf32>, vector<1xf32>, vector<1xf32>, vector<1xf32>, vector<1xf32>, vector<1xf32>, vector<1xf32>, vector<1xf32>, vector<1xf32>, vector<1xf32>, vector<1xf32>, vector<1xf32>, vector<1xf32>, vector<1xf32>, vector<1xf32>, vector<1xf32>, vector<1xf32>, vector<1xf32>, vector<1xf32>, vector<1xf32>, vector<1xf32>, vector<1xf32>, vector<1xf32>, vector<1xf32>, vector<1xf32>, vector<1xf32>, vector<1xf32>, vector<1xf32>, vector<1xf32>, vector<1xf32>, vector<1xf32>, vector<1xf32> -> vector<32xf32>
    %swap3A = arith.constant 0 : index
    %swap3A_163 = arith.constant 0 : index
    %swap3A_164 = arith.constant 0 : index
    %swap3A_165 = vector.load %arg7[%swap3A, %swap3A_163, %swap3A_164] : memref<1x1x32xf32, #tpu.memory_space<vmem>>, vector<1x1x32xf32>
    %swap3A_166 = vector.shape_cast %swap3A_165 : vector<1x1x32xf32> to vector<32xf32>
    %swap3A_167 = vector.shape_cast %stack3A_162 : vector<32xf32> to vector<1x1x32xf32>
    tpu.vector_store %arg7[%swap3A, %swap3A_163, %swap3A_164], %swap3A_167 {strides = array<i32>} : memref<1x1x32xf32, #tpu.memory_space<vmem>>, vector<1x1x32xf32>,
    %swap3A_168 = arith.constant 0 : index
    %swap3A_169 = arith.constant 0 : index
    %swap3A_170 = arith.constant 0 : index
    %swap3A_171 = vector.load %arg4[%swap3A_168, %swap3A_169, %swap3A_170] : memref<1x16x128xi32, #tpu.memory_space<vmem>>, vector<1x16x128xi32>
    %swap3A_172 = vector.shape_cast %swap3A_171 : vector<1x16x128xi32> to vector<16x128xi32>
    %swap3A_173 = vector.shape_cast %reshape3A : vector<16x128xi32> to vector<1x16x128xi32>
    tpu.vector_store %arg4[%swap3A_168, %swap3A_169, %swap3A_170], %swap3A_173 {strides = array<i32>} : memref<1x16x128xi32, #tpu.memory_space<vmem>>, vector<1x16x128xi32>,
    %mul3A_174 = arith.constant 512 : i32
    %mul3A_175 = arith.muli %mul3A_174, %div3A_0 : i32
    %add3A_176 = vector.broadcast %mul3A_175 : i32 to vector<16x128xi32>
    %add3A_177 = arith.addi %reshape3A, %add3A_176 : vector<16x128xi32>
    %swap3A_178 = arith.constant 0 : index
    %swap3A_179 = arith.constant 0 : index
    %swap3A_180 = arith.constant 0 : index
    %swap3A_181 = vector.load %arg5[%swap3A_178, %swap3A_179, %swap3A_180] : memref<1x16x128xi32, #tpu.memory_space<vmem>>, vector<1x16x128xi32>
    %swap3A_182 = vector.shape_cast %swap3A_181 : vector<1x16x128xi32> to vector<16x128xi32>
    %swap3A_183 = vector.shape_cast %add3A_177 : vector<16x128xi32> to vector<1x16x128xi32>
    tpu.vector_store %arg5[%swap3A_178, %swap3A_179, %swap3A_180], %swap3A_183 {strides = array<i32>} : memref<1x16x128xi32, #tpu.memory_space<vmem>>, vector<1x16x128xi32>,
    %swap3A_184 = arith.constant 0 : index
    %swap3A_185 = arith.constant 0 : index
    %swap3A_186 = arith.constant 0 : index
    %swap3A_187 = vector.load %arg6[%swap3A_184, %swap3A_185, %swap3A_186] : memref<1x16x128xf32, #tpu.memory_space<vmem>>, vector<1x16x128xf32>
    %swap3A_188 = vector.shape_cast %swap3A_187 : vector<1x16x128xf32> to vector<16x128xf32>
    %swap3A_189 = vector.shape_cast %reshape3A_50 : vector<16x128xf32> to vector<1x16x128xf32>
    tpu.vector_store %arg6[%swap3A_184, %swap3A_185, %swap3A_186], %swap3A_189 {strides = array<i32>} : memref<1x16x128xf32, #tpu.memory_space<vmem>>, vector<1x16x128xf32>,
    return
  }
  func.func @transform_0(%arg0: i32) -> (i32, i32, i32) {
    %jit3A = arith.constant 4 : i32
    %div3A = arith.divsi %arg0, %jit3A : i32
    %sign3A = arith.constant 0 : i32
    %sign3A_0 = arith.cmpi sgt, %arg0, %sign3A : i32
    %sign3A_1 = arith.extui %sign3A_0 : i1 to i32
    %sign3A_2 = arith.constant 0 : i32
    %sign3A_3 = arith.cmpi slt, %arg0, %sign3A_2 : i32
    %sign3A_4 = arith.extui %sign3A_3 : i1 to i32
    %sign3A_5 = arith.subi %sign3A_1, %sign3A_4 : i32
    %sign3A_6 = arith.constant 0 : i32
    %sign3A_7 = arith.cmpi sgt, %jit3A, %sign3A_6 : i32
    %sign3A_8 = arith.extui %sign3A_7 : i1 to i32
    %sign3A_9 = arith.constant 0 : i32
    %sign3A_10 = arith.cmpi slt, %jit3A, %sign3A_9 : i32
    %sign3A_11 = arith.extui %sign3A_10 : i1 to i32
    %sign3A_12 = arith.subi %sign3A_8, %sign3A_11 : i32
    %ne3A = arith.cmpi ne, %sign3A_5, %sign3A_12 : i32
    %rem3A = arith.remsi %arg0, %jit3A : i32
    %ne3A_13 = arith.constant 0 : i32
    %ne3A_14 = arith.cmpi ne, %rem3A, %ne3A_13 : i32
    %and3A = arith.andi %ne3A, %ne3A_14 : i1
    %sub3A = arith.constant 1 : i32
    %sub3A_15 = arith.subi %div3A, %sub3A : i32
    %select_n3A = arith.select %and3A, %sub3A_15, %div3A : i32
    %c0_i32 = arith.constant 0 : i32
    %c0_i32_16 = arith.constant 0 : i32
    %c0_i32_17 = arith.constant 0 : i32
    return %select_n3A, %c0_i32, %c0_i32_16 : i32, i32, i32
  }
  func.func @transform_1(%arg0: i32) -> (i32, i32, i32) {
    %jit3A = arith.constant 4 : i32
    %eq3A = arith.constant 0 : i32
    %eq3A_0 = arith.cmpi eq, %jit3A, %eq3A : i32
    %jit3A_1 = arith.constant 1 : i32
    %select_n3A = arith.select %eq3A_0, %jit3A_1, %jit3A : i32
    %rem3A = arith.remsi %arg0, %select_n3A : i32
    %ne3A = arith.constant 0 : i32
    %ne3A_2 = arith.cmpi ne, %rem3A, %ne3A : i32
    %lt3A = arith.constant 0 : i32
    %lt3A_3 = arith.cmpi slt, %rem3A, %lt3A : i32
    %lt3A_4 = arith.constant 0 : i32
    %lt3A_5 = arith.cmpi slt, %select_n3A, %lt3A_4 : i32
    %ne3A_6 = arith.xori %lt3A_3, %lt3A_5 : i1
    %and3A = arith.andi %ne3A_6, %ne3A_2 : i1
    %add3A = arith.addi %rem3A, %select_n3A : i32
    %select_n3A_7 = arith.select %and3A, %add3A, %rem3A : i32
    %mul3A = arith.constant 8 : i32
    %mul3A_8 = arith.muli %select_n3A_7, %mul3A : i32
    %jit3A_9 = arith.constant 4 : i32
    %div3A = arith.divsi %arg0, %jit3A_9 : i32
    %sign3A = arith.constant 0 : i32
    %sign3A_10 = arith.cmpi sgt, %arg0, %sign3A : i32
    %sign3A_11 = arith.extui %sign3A_10 : i1 to i32
    %sign3A_12 = arith.constant 0 : i32
    %sign3A_13 = arith.cmpi slt, %arg0, %sign3A_12 : i32
    %sign3A_14 = arith.extui %sign3A_13 : i1 to i32
    %sign3A_15 = arith.subi %sign3A_11, %sign3A_14 : i32
    %sign3A_16 = arith.constant 0 : i32
    %sign3A_17 = arith.cmpi sgt, %jit3A_9, %sign3A_16 : i32
    %sign3A_18 = arith.extui %sign3A_17 : i1 to i32
    %sign3A_19 = arith.constant 0 : i32
    %sign3A_20 = arith.cmpi slt, %jit3A_9, %sign3A_19 : i32
    %sign3A_21 = arith.extui %sign3A_20 : i1 to i32
    %sign3A_22 = arith.subi %sign3A_18, %sign3A_21 : i32
    %ne3A_23 = arith.cmpi ne, %sign3A_15, %sign3A_22 : i32
    %rem3A_24 = arith.remsi %arg0, %jit3A_9 : i32
    %ne3A_25 = arith.constant 0 : i32
    %ne3A_26 = arith.cmpi ne, %rem3A_24, %ne3A_25 : i32
    %and3A_27 = arith.andi %ne3A_23, %ne3A_26 : i1
    %sub3A = arith.constant 1 : i32
    %sub3A_28 = arith.subi %div3A, %sub3A : i32
    %select_n3A_29 = arith.select %and3A_27, %sub3A_28, %div3A : i32
    %add3A_30 = arith.addi %mul3A_8, %select_n3A_29 : i32
    %c0_i32 = arith.constant 0 : i32
    %c0_i32_31 = arith.constant 0 : i32
    %c0_i32_32 = arith.constant 0 : i32
    return %add3A_30, %c0_i32, %c0_i32_31 : i32, i32, i32
  }
  func.func @transform_2(%arg0: i32) -> (i32, i32, i32) {
    %jit3A = arith.constant 4 : i32
    %eq3A = arith.constant 0 : i32
    %eq3A_0 = arith.cmpi eq, %jit3A, %eq3A : i32
    %jit3A_1 = arith.constant 1 : i32
    %select_n3A = arith.select %eq3A_0, %jit3A_1, %jit3A : i32
    %rem3A = arith.remsi %arg0, %select_n3A : i32
    %ne3A = arith.constant 0 : i32
    %ne3A_2 = arith.cmpi ne, %rem3A, %ne3A : i32
    %lt3A = arith.constant 0 : i32
    %lt3A_3 = arith.cmpi slt, %rem3A, %lt3A : i32
    %lt3A_4 = arith.constant 0 : i32
    %lt3A_5 = arith.cmpi slt, %select_n3A, %lt3A_4 : i32
    %ne3A_6 = arith.xori %lt3A_3, %lt3A_5 : i1
    %and3A = arith.andi %ne3A_6, %ne3A_2 : i1
    %add3A = arith.addi %rem3A, %select_n3A : i32
    %select_n3A_7 = arith.select %and3A, %add3A, %rem3A : i32
    %c0_i32 = arith.constant 0 : i32
    %c0_i32_8 = arith.constant 0 : i32
    %c0_i32_9 = arith.constant 0 : i32
    return %select_n3A_7, %c0_i32, %c0_i32_8 : i32, i32, i32
  }
  func.func @transform_3(%arg0: i32) -> (i32, i32, i32) {
    %jit3A = arith.constant 4 : i32
    %eq3A = arith.constant 0 : i32
    %eq3A_0 = arith.cmpi eq, %jit3A, %eq3A : i32
    %jit3A_1 = arith.constant 1 : i32
    %select_n3A = arith.select %eq3A_0, %jit3A_1, %jit3A : i32
    %rem3A = arith.remsi %arg0, %select_n3A : i32
    %ne3A = arith.constant 0 : i32
    %ne3A_2 = arith.cmpi ne, %rem3A, %ne3A : i32
    %lt3A = arith.constant 0 : i32
    %lt3A_3 = arith.cmpi slt, %rem3A, %lt3A : i32
    %lt3A_4 = arith.constant 0 : i32
    %lt3A_5 = arith.cmpi slt, %select_n3A, %lt3A_4 : i32
    %ne3A_6 = arith.xori %lt3A_3, %lt3A_5 : i1
    %and3A = arith.andi %ne3A_6, %ne3A_2 : i1
    %add3A = arith.addi %rem3A, %select_n3A : i32
    %select_n3A_7 = arith.select %and3A, %add3A, %rem3A : i32
    %mul3A = arith.constant 8 : i32
    %mul3A_8 = arith.muli %select_n3A_7, %mul3A : i32
    %jit3A_9 = arith.constant 4 : i32
    %div3A = arith.divsi %arg0, %jit3A_9 : i32
    %sign3A = arith.constant 0 : i32
    %sign3A_10 = arith.cmpi sgt, %arg0, %sign3A : i32
    %sign3A_11 = arith.extui %sign3A_10 : i1 to i32
    %sign3A_12 = arith.constant 0 : i32
    %sign3A_13 = arith.cmpi slt, %arg0, %sign3A_12 : i32
    %sign3A_14 = arith.extui %sign3A_13 : i1 to i32
    %sign3A_15 = arith.subi %sign3A_11, %sign3A_14 : i32
    %sign3A_16 = arith.constant 0 : i32
    %sign3A_17 = arith.cmpi sgt, %jit3A_9, %sign3A_16 : i32
    %sign3A_18 = arith.extui %sign3A_17 : i1 to i32
    %sign3A_19 = arith.constant 0 : i32
    %sign3A_20 = arith.cmpi slt, %jit3A_9, %sign3A_19 : i32
    %sign3A_21 = arith.extui %sign3A_20 : i1 to i32
    %sign3A_22 = arith.subi %sign3A_18, %sign3A_21 : i32
    %ne3A_23 = arith.cmpi ne, %sign3A_15, %sign3A_22 : i32
    %rem3A_24 = arith.remsi %arg0, %jit3A_9 : i32
    %ne3A_25 = arith.constant 0 : i32
    %ne3A_26 = arith.cmpi ne, %rem3A_24, %ne3A_25 : i32
    %and3A_27 = arith.andi %ne3A_23, %ne3A_26 : i1
    %sub3A = arith.constant 1 : i32
    %sub3A_28 = arith.subi %div3A, %sub3A : i32
    %select_n3A_29 = arith.select %and3A_27, %sub3A_28, %div3A : i32
    %add3A_30 = arith.addi %mul3A_8, %select_n3A_29 : i32
    %c0_i32 = arith.constant 0 : i32
    %c0_i32_31 = arith.constant 0 : i32
    %c0_i32_32 = arith.constant 0 : i32
    return %add3A_30, %c0_i32, %c0_i32_31 : i32, i32, i32
  }
  func.func @transform_4(%arg0: i32) -> (i32, i32, i32) {
    %jit3A = arith.constant 4 : i32
    %eq3A = arith.constant 0 : i32
    %eq3A_0 = arith.cmpi eq, %jit3A, %eq3A : i32
    %jit3A_1 = arith.constant 1 : i32
    %select_n3A = arith.select %eq3A_0, %jit3A_1, %jit3A : i32
    %rem3A = arith.remsi %arg0, %select_n3A : i32
    %ne3A = arith.constant 0 : i32
    %ne3A_2 = arith.cmpi ne, %rem3A, %ne3A : i32
    %lt3A = arith.constant 0 : i32
    %lt3A_3 = arith.cmpi slt, %rem3A, %lt3A : i32
    %lt3A_4 = arith.constant 0 : i32
    %lt3A_5 = arith.cmpi slt, %select_n3A, %lt3A_4 : i32
    %ne3A_6 = arith.xori %lt3A_3, %lt3A_5 : i1
    %and3A = arith.andi %ne3A_6, %ne3A_2 : i1
    %add3A = arith.addi %rem3A, %select_n3A : i32
    %select_n3A_7 = arith.select %and3A, %add3A, %rem3A : i32
    %mul3A = arith.constant 8 : i32
    %mul3A_8 = arith.muli %select_n3A_7, %mul3A : i32
    %jit3A_9 = arith.constant 4 : i32
    %div3A = arith.divsi %arg0, %jit3A_9 : i32
    %sign3A = arith.constant 0 : i32
    %sign3A_10 = arith.cmpi sgt, %arg0, %sign3A : i32
    %sign3A_11 = arith.extui %sign3A_10 : i1 to i32
    %sign3A_12 = arith.constant 0 : i32
    %sign3A_13 = arith.cmpi slt, %arg0, %sign3A_12 : i32
    %sign3A_14 = arith.extui %sign3A_13 : i1 to i32
    %sign3A_15 = arith.subi %sign3A_11, %sign3A_14 : i32
    %sign3A_16 = arith.constant 0 : i32
    %sign3A_17 = arith.cmpi sgt, %jit3A_9, %sign3A_16 : i32
    %sign3A_18 = arith.extui %sign3A_17 : i1 to i32
    %sign3A_19 = arith.constant 0 : i32
    %sign3A_20 = arith.cmpi slt, %jit3A_9, %sign3A_19 : i32
    %sign3A_21 = arith.extui %sign3A_20 : i1 to i32
    %sign3A_22 = arith.subi %sign3A_18, %sign3A_21 : i32
    %ne3A_23 = arith.cmpi ne, %sign3A_15, %sign3A_22 : i32
    %rem3A_24 = arith.remsi %arg0, %jit3A_9 : i32
    %ne3A_25 = arith.constant 0 : i32
    %ne3A_26 = arith.cmpi ne, %rem3A_24, %ne3A_25 : i32
    %and3A_27 = arith.andi %ne3A_23, %ne3A_26 : i1
    %sub3A = arith.constant 1 : i32
    %sub3A_28 = arith.subi %div3A, %sub3A : i32
    %select_n3A_29 = arith.select %and3A_27, %sub3A_28, %div3A : i32
    %add3A_30 = arith.addi %mul3A_8, %select_n3A_29 : i32
    %c0_i32 = arith.constant 0 : i32
    %c0_i32_31 = arith.constant 0 : i32
    %c0_i32_32 = arith.constant 0 : i32
    return %add3A_30, %c0_i32, %c0_i32_31 : i32, i32, i32
  }
  func.func @transform_5(%arg0: i32) -> (i32, i32, i32) {
    %jit3A = arith.constant 4 : i32
    %eq3A = arith.constant 0 : i32
    %eq3A_0 = arith.cmpi eq, %jit3A, %eq3A : i32
    %jit3A_1 = arith.constant 1 : i32
    %select_n3A = arith.select %eq3A_0, %jit3A_1, %jit3A : i32
    %rem3A = arith.remsi %arg0, %select_n3A : i32
    %ne3A = arith.constant 0 : i32
    %ne3A_2 = arith.cmpi ne, %rem3A, %ne3A : i32
    %lt3A = arith.constant 0 : i32
    %lt3A_3 = arith.cmpi slt, %rem3A, %lt3A : i32
    %lt3A_4 = arith.constant 0 : i32
    %lt3A_5 = arith.cmpi slt, %select_n3A, %lt3A_4 : i32
    %ne3A_6 = arith.xori %lt3A_3, %lt3A_5 : i1
    %and3A = arith.andi %ne3A_6, %ne3A_2 : i1
    %add3A = arith.addi %rem3A, %select_n3A : i32
    %select_n3A_7 = arith.select %and3A, %add3A, %rem3A : i32
    %mul3A = arith.constant 8 : i32
    %mul3A_8 = arith.muli %select_n3A_7, %mul3A : i32
    %jit3A_9 = arith.constant 4 : i32
    %div3A = arith.divsi %arg0, %jit3A_9 : i32
    %sign3A = arith.constant 0 : i32
    %sign3A_10 = arith.cmpi sgt, %arg0, %sign3A : i32
    %sign3A_11 = arith.extui %sign3A_10 : i1 to i32
    %sign3A_12 = arith.constant 0 : i32
    %sign3A_13 = arith.cmpi slt, %arg0, %sign3A_12 : i32
    %sign3A_14 = arith.extui %sign3A_13 : i1 to i32
    %sign3A_15 = arith.subi %sign3A_11, %sign3A_14 : i32
    %sign3A_16 = arith.constant 0 : i32
    %sign3A_17 = arith.cmpi sgt, %jit3A_9, %sign3A_16 : i32
    %sign3A_18 = arith.extui %sign3A_17 : i1 to i32
    %sign3A_19 = arith.constant 0 : i32
    %sign3A_20 = arith.cmpi slt, %jit3A_9, %sign3A_19 : i32
    %sign3A_21 = arith.extui %sign3A_20 : i1 to i32
    %sign3A_22 = arith.subi %sign3A_18, %sign3A_21 : i32
    %ne3A_23 = arith.cmpi ne, %sign3A_15, %sign3A_22 : i32
    %rem3A_24 = arith.remsi %arg0, %jit3A_9 : i32
    %ne3A_25 = arith.constant 0 : i32
    %ne3A_26 = arith.cmpi ne, %rem3A_24, %ne3A_25 : i32
    %and3A_27 = arith.andi %ne3A_23, %ne3A_26 : i1
    %sub3A = arith.constant 1 : i32
    %sub3A_28 = arith.subi %div3A, %sub3A : i32
    %select_n3A_29 = arith.select %and3A_27, %sub3A_28, %div3A : i32
    %add3A_30 = arith.addi %mul3A_8, %select_n3A_29 : i32
    %c0_i32 = arith.constant 0 : i32
    %c0_i32_31 = arith.constant 0 : i32
    %c0_i32_32 = arith.constant 0 : i32
    return %add3A_30, %c0_i32, %c0_i32_31 : i32, i32, i32
  }
  func.func @transform_6(%arg0: i32) -> (i32, i32, i32) {
    %jit3A = arith.constant 4 : i32
    %eq3A = arith.constant 0 : i32
    %eq3A_0 = arith.cmpi eq, %jit3A, %eq3A : i32
    %jit3A_1 = arith.constant 1 : i32
    %select_n3A = arith.select %eq3A_0, %jit3A_1, %jit3A : i32
    %rem3A = arith.remsi %arg0, %select_n3A : i32
    %ne3A = arith.constant 0 : i32
    %ne3A_2 = arith.cmpi ne, %rem3A, %ne3A : i32
    %lt3A = arith.constant 0 : i32
    %lt3A_3 = arith.cmpi slt, %rem3A, %lt3A : i32
    %lt3A_4 = arith.constant 0 : i32
    %lt3A_5 = arith.cmpi slt, %select_n3A, %lt3A_4 : i32
    %ne3A_6 = arith.xori %lt3A_3, %lt3A_5 : i1
    %and3A = arith.andi %ne3A_6, %ne3A_2 : i1
    %add3A = arith.addi %rem3A, %select_n3A : i32
    %select_n3A_7 = arith.select %and3A, %add3A, %rem3A : i32
    %mul3A = arith.constant 8 : i32
    %mul3A_8 = arith.muli %select_n3A_7, %mul3A : i32
    %jit3A_9 = arith.constant 4 : i32
    %div3A = arith.divsi %arg0, %jit3A_9 : i32
    %sign3A = arith.constant 0 : i32
    %sign3A_10 = arith.cmpi sgt, %arg0, %sign3A : i32
    %sign3A_11 = arith.extui %sign3A_10 : i1 to i32
    %sign3A_12 = arith.constant 0 : i32
    %sign3A_13 = arith.cmpi slt, %arg0, %sign3A_12 : i32
    %sign3A_14 = arith.extui %sign3A_13 : i1 to i32
    %sign3A_15 = arith.subi %sign3A_11, %sign3A_14 : i32
    %sign3A_16 = arith.constant 0 : i32
    %sign3A_17 = arith.cmpi sgt, %jit3A_9, %sign3A_16 : i32
    %sign3A_18 = arith.extui %sign3A_17 : i1 to i32
    %sign3A_19 = arith.constant 0 : i32
    %sign3A_20 = arith.cmpi slt, %jit3A_9, %sign3A_19 : i32
    %sign3A_21 = arith.extui %sign3A_20 : i1 to i32
    %sign3A_22 = arith.subi %sign3A_18, %sign3A_21 : i32
    %ne3A_23 = arith.cmpi ne, %sign3A_15, %sign3A_22 : i32
    %rem3A_24 = arith.remsi %arg0, %jit3A_9 : i32
    %ne3A_25 = arith.constant 0 : i32
    %ne3A_26 = arith.cmpi ne, %rem3A_24, %ne3A_25 : i32
    %and3A_27 = arith.andi %ne3A_23, %ne3A_26 : i1
    %sub3A = arith.constant 1 : i32
    %sub3A_28 = arith.subi %div3A, %sub3A : i32
    %select_n3A_29 = arith.select %and3A_27, %sub3A_28, %div3A : i32
    %add3A_30 = arith.addi %mul3A_8, %select_n3A_29 : i32
    %c0_i32 = arith.constant 0 : i32
    %c0_i32_31 = arith.constant 0 : i32
    %c0_i32_32 = arith.constant 0 : i32
    return %add3A_30, %c0_i32, %c0_i32_31 : i32, i32, i32
  }
}

module attributes {stable_mosaic.version = 14 : i64} {
  func.func @_finalize_body(%arg0: memref<8x1x32xf32, #tpu.memory_space<vmem>>, %arg1: memref<32x1x32xf32, #tpu.memory_space<vmem>>, %arg2: memref<1x32xf32, #tpu.memory_space<vmem>>) attributes {dimension_semantics = [], scalar_prefetch = 0 : i64, scratch_operands = 0 : i64, tpu.core_type = #tpu.core_type<tc>} {
    %get3A = arith.constant 0 : index
    %get3A_0 = arith.constant 0 : index
    %get3A_1 = arith.constant 0 : index
    %get3A_2 = vector.load %arg0[%get3A, %get3A_0, %get3A_1] : memref<8x1x32xf32, #tpu.memory_space<vmem>>, vector<8x1x32xf32>
    %get3A_3 = vector.shape_cast %get3A_2 : vector<8x1x32xf32> to vector<8x32xf32>
    %reduce_sum3A = arith.constant dense<0.000000e+00> : vector<32xf32>
    %reduce_sum3A_4 = vector.multi_reduction <add>, %get3A_3, %reduce_sum3A [0] : vector<8x32xf32> to vector<32xf32>
    %broadcast_in_dim3A = vector.shape_cast %reduce_sum3A_4 : vector<32xf32> to vector<1x32xf32>
    %get3A_5 = arith.constant 0 : index
    %get3A_6 = arith.constant 0 : index
    %get3A_7 = arith.constant 0 : index
    %get3A_8 = vector.load %arg1[%get3A_5, %get3A_6, %get3A_7] : memref<32x1x32xf32, #tpu.memory_space<vmem>>, vector<32x1x32xf32>
    %get3A_9 = vector.shape_cast %get3A_8 : vector<32x1x32xf32> to vector<32x32xf32>
    %reduce_sum3A_10 = arith.constant dense<0.000000e+00> : vector<32xf32>
    %reduce_sum3A_11 = vector.multi_reduction <add>, %get3A_9, %reduce_sum3A_10 [0] : vector<32x32xf32> to vector<32xf32>
    %broadcast_in_dim3A_12 = vector.shape_cast %reduce_sum3A_11 : vector<32xf32> to vector<1x32xf32>
    %add3A = arith.addf %broadcast_in_dim3A, %broadcast_in_dim3A_12 : vector<1x32xf32>
    %swap3A = arith.constant 0 : index
    %swap3A_13 = arith.constant 0 : index
    %swap3A_14 = vector.load %arg2[%swap3A, %swap3A_13] : memref<1x32xf32, #tpu.memory_space<vmem>>, vector<1x32xf32>
    tpu.vector_store %arg2[%swap3A, %swap3A_13], %add3A {strides = array<i32>} : memref<1x32xf32, #tpu.memory_space<vmem>>, vector<1x32xf32>,
    return
  }
}

</mosaic_0001>

<sc_bundles>
// kernel: kernel.6.cloned.1.call-start
scs
__scs_entry_jumppad:
0x0: {  	(pc) =	sbr.rel $0x88, $3  }
0x1: {  	(tag) =	ssettag $0x0;
	lr =	simm.s32 $0x1  }
0x2: {  	[smem:$0x3F9D] =	sst lr;
	_ =	strace $0xD0000000  }
0x3: {  	_ = 	snop  }
0x4: {  	_ = 	snop  }
0x5: {  	_ = 	snop  }
0x6: {  	_ = 	snop  }
0x7: {  	_ = 	snop  }
__scs_overlays_trampoline_lowered:
0x8: {  	[smem:$0x3FAC] =	sst s0  }
0x9: {  	[smem:$0x3FAD] =	sst s1  }
0xa: {  	[smem:$0x3FAE] =	sst s2  }
0xb: {  	[smem:$0x3FAF] =	sst s3  }
0xc: {  	[smem:$0x3FB0] =	sst s4  }
0xd: {  	[smem:$0x3FB1] =	sst s5  }
0xe: {  	[smem:$0x3FB2] =	sst s6  }
0xf: {  	[smem:$0x3FB3] =	sst s7  }
0x10: {  	[smem:$0x3FB4] =	sst s8  }
0x11: {  	[smem:$0x3FB5] =	sst s9;
	s0 =	simm.s32 @!p0 $0x0  }
0x12: {  	s1 =	sld [smem:$0x3F9B];
	s0 =	simm.s32 @p0 $0x1  }
0x13: {  	[smem:$0x3FB6] =	sst s0;
	s0 =	simm.s32 @!p1 $0x0  }
0x14: {  	s2 =	sld [smem:$0x3F9A];
	s0 =	simm.s32 @p1 $0x1  }
0x15: {  	[smem:$0x3FB7] =	sst s0;
	s0 =	simm.s32 @!p2 $0x0  }
0x16: {  	s3 =	sld [smem:$0x3FDB];
	s0 =	simm.s32 @p2 $0x1  }
0x17: {  	s4 =	simm.s32 $0x1BF5;
	[smem:$0x3FB9] =	sst s0  }
0x18: {  	s0 =	sld [smem:$0x3F9C];
	_ =	swait.ge [sflag:s4], $0x0  }
0x19: {  	s7 =	sld [smem:$0x3F9D]  }
0x1a: {  	s8 =	sadd.s32 $0xFFFFE003, lr  }
0x1b: {  	s9 =	sadd.s32 $0xFFFFFEF7, lr;
	s5 =	simm.s32 $0xFFFFFFFF;
	p2 =	slt.u32 s8, $0xFFFFF086  }
0x1c: {  	p1 =	slt.u32 s9, $0xF7A;
	s5 =	simm.s32 @!p2 $0x0  }
0x1d: {  	s5 =	simm.s32 @p1 $0x1;
	p0 =	seq.s32 s7, s2  }
0x1e: {  	s7 =	smul.u32 @!p0 $0xF7A, s2;
	p2 =	seq.s32 @!p0 s5, $0x0  }
0x1f: {  	s9 =	smul.u32 $0xF7A, s1;
	s8 =	simm.s32 @!p0 $0x1BF5;
	p2 =	por !p2, p0  }
0x20: {  	[sflag:s8] =	ssyncset.s32 @!p0 $0xFFFFF086;
	s6 =	sadd.s32 @!p0 s3, s7;
	s7 =	simm.s32 @!p0 $0x108  }
0x21: {  	s3 =	sadd.s32 s3, s9;
	s6 =	sadd.s32 @!p0 $0x88, s6;
	s7 =	simm.s32 @p2 $0x1082  }
0x22: {  	[simem:s7], [sflag:s8] =	dma.local @!p0 [hbm:s6], $0xF7A  }
0x23: {  	s9 =	sor.u32 $0xD0000000, s2;
	s6 =	simm.s32 $0x108;
	_ =	swait.ge @!p0 [sflag:s8], $0x0  }
0x24: {  	s3 =	sadd.s32 $0x88, s3;
	s6 =	simm.s32 @!p1 $0x1082;
	[sflag:s4] =	ssyncset.s32 $0xFFFFF086  }
0x25: {  	[simem:s6], [sflag:s4] =	dma.local [hbm:s3], $0xF7A  }
0x26: {  	[smem:$0x3F9D] =	sst s1;
	(tag) =	ssettag s2;
	_ =	strace s9  }
0x27: {  	s1 =	sld [smem:$0x3FAD]  }
0x28: {  	s2 =	sld [smem:$0x3FAE]  }
0x29: {  	s4 =	sld [smem:$0x3FB0]  }
0x2a: {  	p0 =	seq.s32 s5, $0x0;
	s5 =	sld [smem:$0x3FB1]  }
0x2b: {  	s6 =	sld [smem:$0x3FB2]  }
0x2c: {  	s7 =	sld [smem:$0x3FB3]  }
0x2d: {  	s3 =	simm.s32 $0x108;
	s8 =	sld [smem:$0x3FB4]  }
0x2e: {  	s3 =	simm.s32 @!p0 $0x1082;
	s9 =	sld [smem:$0x3FB5]  }
0x2f: {  	lr =	sadd.s32 s0, s3;
	s0 =	sld [smem:$0x3FAC]  }
0x30: {  	s3 =	sld [smem:$0x3FAF]  }
0x31: {  	[smem:$0x3FB8] =	sst s10  }
0x32: {  	s10 =	sld [smem:$0x3FB6];
	_ =	sdelay $0x3  }
0x33: {  	p0 =	seq.s32 s10, $0x1;
	s10 =	sld [smem:$0x3FB8];
	_ =	sdelay $0x3  }
0x34: {  	[smem:$0x3FB8] =	sst s10  }
0x35: {  	s10 =	sld [smem:$0x3FB7];
	_ =	sdelay $0x3  }
0x36: {  	p1 =	seq.s32 s10, $0x1;
	s10 =	sld [smem:$0x3FB8];
	_ =	sdelay $0x3  }
0x37: {  	[smem:$0x3FB8] =	sst s10  }
0x38: {  	s10 =	sld [smem:$0x3FB9]  }
0x39: {  	_ = 	snop;
	(pc) =	sbr.ind lr, $3  }
0x3a: {  	_ = 	snop  }
0x3b: {  	_ = 	snop  }
0x3c: {  	p2 =	seq.s32 s10, $0x1;
	s10 =	sld [smem:$0x3FB8]  }
0x3d: {  	_ =	shalt  }
0x3e: {  	_ =	shalt  }
0x3f: {  	_ =	shalt  }
0x40: {  	_ =	shalt  }
0x41: {  	_ =	shalt  }
0x42: {  	_ =	shalt  }
0x43: {  	_ =	shalt  }
0x44: {  	_ =	shalt  }
0x45: {  	_ =	shalt  }
0x46: {  	_ =	shalt  }
0x47: {  	_ =	shalt  }
0x48: {  	_ =	shalt  }
0x49: {  	_ =	shalt  }
0x4a: {  	_ =	shalt  }
0x4b: {  	_ =	shalt  }
0x4c: {  	_ =	shalt  }
0x4d: {  	_ =	shalt  }
0x4e: {  	_ =	shalt  }
0x4f: {  	_ =	shalt  }
0x50: {  	_ =	shalt  }
0x51: {  	_ =	shalt  }
0x52: {  	_ =	shalt  }
0x53: {  	_ =	shalt  }
0x54: {  	_ =	shalt  }
0x55: {  	_ =	shalt  }
0x56: {  	_ =	shalt  }
0x57: {  	_ =	shalt  }
0x58: {  	_ =	shalt  }
0x59: {  	_ =	shalt  }
0x5a: {  	_ =	shalt  }
0x5b: {  	_ =	shalt  }
0x5c: {  	_ =	shalt  }
0x5d: {  	_ =	shalt  }
0x5e: {  	_ =	shalt  }
0x5f: {  	_ =	shalt  }
0x60: {  	_ =	shalt  }
0x61: {  	_ =	shalt  }
0x62: {  	_ =	shalt  }
0x63: {  	_ =	shalt  }
0x64: {  	_ =	shalt  }
0x65: {  	_ =	shalt  }
0x66: {  	_ =	shalt  }
0x67: {  	_ =	shalt  }
0x68: {  	_ =	shalt  }
0x69: {  	_ =	shalt  }
0x6a: {  	_ =	shalt  }
0x6b: {  	_ =	shalt  }
0x6c: {  	_ =	shalt  }
0x6d: {  	_ =	shalt  }
0x6e: {  	_ =	shalt  }
0x6f: {  	_ =	shalt  }
0x70: {  	_ =	shalt  }
0x71: {  	_ =	shalt  }
0x72: {  	_ =	shalt  }
0x73: {  	_ =	shalt  }
0x74: {  	_ =	shalt  }
0x75: {  	_ =	shalt  }
0x76: {  	_ =	shalt  }
0x77: {  	_ =	shalt  }
0x78: {  	_ =	shalt  }
0x79: {  	_ =	shalt  }
0x7a: {  	_ =	shalt  }
0x7b: {  	_ =	shalt  }
0x7c: {  	_ =	shalt  }
0x7d: {  	_ =	shalt  }
0x7e: {  	_ =	shalt  }
0x7f: {  	_ =	shalt  }
0x80: {  	_ =	shalt  }
0x81: {  	_ =	shalt  }
0x82: {  	_ =	shalt  }
0x83: {  	_ =	shalt  }
0x84: {  	_ =	shalt  }
0x85: {  	_ =	shalt  }
0x86: {  	_ =	shalt  }
0x87: {  	_ =	shalt  }
.Lfunc_end0:
.L_simem_size_0:
called_computation_lowered:
.L_overlay_start_0:
0x88: {  	s2 =	sld [smem:$0x3FD9]  }
0x89: {  	s3 =	sld [smem:$0x3FFE];
	_ =	sdelay $0x1  }
0x8a: {  	s1 =	srdreg.scid  }
0x8b: {  	s0 =	sand.u32 $0x1, s1  }
0x8c: {  	s14 =	sshll.u32 s0, $0xA;
	s2 =	sadd.s32 s3, s2  }
0x8d: {  	s2 =	sadd.s32 s2, s14  }
0x8e: {  	[smem:$0x3FC4] =	sst s2  }
0x8f: {  	_ = 	snop  }
0x90: {  	s2 =	sld [smem:$0x3FD0];
	_ =	sdelay $0x2  }
0x91: {  	s15 =	simm.s32 $0xA;
	s4 =	simm.s32 $0x10  }
0x92: {  	[smem:s4], [sflag:s15] =	dma.local [hbm:s2], $0x1  }
0x93: {  	_ =	swait.eq [sflag:s15], $0x1  }
0x94: {  	[sflag:s15] =	ssyncset.done $0x0  }
0x95: {  	[sflag:s15] =	ssyncadd.s32 $0xFFFFFFFF  }
0x96: {  	s16 =	sld [smem:$0x10];
	(tm) =	ssettm $0x1  }
0x97: {  	s17 =	sld [smem:$0x3FFB];
	_ =	sdelay $0x3  }
0x98: {  	_ =	strace s17  }
0x99: {  	s3 =	sld [smem:$0x3FFC];
	_ =	sdelay $0x3  }
0x9a: {  	_ =	strace s3  }
0x9b: {  	s3 =	sld [smem:$0x3FFD];
	_ =	sdelay $0x3  }
0x9c: {  	_ =	strace s3  }
0x9d: {  	_ =	strace $0x8FFFFFFF  }
0x9e: {  	s18 =	sld [smem:$0x3FDB];
	_ =	sdelay $0x1  }
0x9f: {  	s19 =	simm.s32 $_scs_section_size  }
0xa0: {  	s5 =	simm.s32 $_size__tile_overlayer_lowered;
	s6 =	simm.s32 $_tile_overlayer_lowered  }
0xa1: {  	s22 =	simm.s32 $0x1BFF;
	s21 =	sshll.u32 s6, $0x1;
	s3 =	sadd.s32 s19, s18  }
0xa2: {  	s7 =	simm.s32 $0x0;
	s20 =	sshll.u32 s5, $0x1;
	s5 =	sadd.s32 s21, s3  }
0xa3: {  	[timem:s7], [sflag:s22] =	dma.local [hbm:s5], s20  }
0xa4: {  	_ =	swait.ge [sflag:s22], s20  }
0xa5: {  	s4 =	ssub.s32 $0x0, s20;
	[sflag:s22] =	ssyncset.done $0x0  }
0xa6: {  	[sflag:s22] =	ssyncadd.s32 s4;
	_ =	sdelay $0x1  }
0xa7: {  	s23 =	simm.s32 $0x1B8B  }
0xa8: {  	_ =	swait.ge [sflag:s23], $0x1  }
0xa9: {  	[sflag:s23] =	ssyncset.done $0x0  }
0xaa: {  	s25 =	simm.s32 $0x1B8E;
	s24 =	sld [smem:$0x3FFE];
	[sflag:s23] =	ssyncadd.s32 $0xFFFFFFFF  }
0xab: {  	s26 =	simm.s32 $execute0_lowered;
	[smem:$0x3FD2] =	sst s25  }
0xac: {  	s5 =	sshll.u32 s26, $0x1;
	_ =	strace $0x80000046;
	[dreg:$0x1] =	wrdreg $0xFFFFFFFF  }
0xad: {  	s28 =	simm.s32 $_size_execute0_lowered;
	s3 =	sadd.s32 s3, s5;
	[dreg:$0x0] =	wrdreg $0x0  }
0xae: {  	s5 =	sshll.u32 s28, $0x1;
	[dreg:$0x2] =	wrdreg s3  }
0xaf: {  	[dreg:$0x3] =	wrdreg s5  }
0xb0: {  	[dreg:$0x4] =	wrdreg $0xC0  }
0xb1: {  	_ =	task [dreg:s7], $0x5FFFF  }
0xb2: {  	[dreg:$0x1] =	wrdreg $0xFFFFFFFF  }
0xb3: {  	[dreg:$0x0] =	wrdreg $0x60  }
0xb4: {  	[dreg:$0x2] =	wrdreg s24  }
0xb5: {  	[dreg:$0x3] =	wrdreg s16  }
0xb6: {  	[dreg:$0x4] =	wrdreg $0x9  }
0xb7: {  	_ =	task.clear_ibuf [dreg:s7], $0x5FFFF;
	_ =	strace $0x90000046  }
0xb8: {  	s29 =	simm.s32 $0x9;
	_ =	strace $0x80000048  }
0xb9: {  	_ =	swait.ge [sflag:s29], $0x1  }
0xba: {  	[sflag:s29] =	ssyncadd.s32 $0xFFFFFFFF  }
0xbb: {  	_ =	strace $0x90000048  }
0xbc: {  	_ =	sfence  }
0xbd: {  	s30 =	sld [smem:$0x0];
	_ =	sdelay $0x2  }
0xbe: {  	s31 =	sshll.u32 s1, $0xD;
	s1 =	sshrl.u32 s1, $0x2  }
0xbf: {  	s3 =	sand.u32 $0x4000, s31;
	s1 =	sadd.s32 s1, s30  }
0xc0: {  	s0 =	sor.u32 s3, s0;
	s1 =	sshll.u32 s1, $0x11  }
0xc1: {  	s0 =	sor.u32 s1, s0  }
0xc2: {  	s0 =	sadd.s32 $0x8F2B, s0  }
0xc3: {  	[sflag:s0] =	ssyncadd.remote.s32 $0x1  }
0xc4: {  	_ =	sfence.sel $0xFFFF  }
0xc5: {  	[dreg:$0x0] =	wrdreg $0xFFFFFFFF;
	(pc) =	sbr.abs _section_cstart, $3  }
0xc6: {  	[dreg:$0x1] =	wrdreg $0xFFFFFFFF  }
0xc7: {  	_ =	task.clear_ibuf [dreg:s7], $0x2FFFF;
	_ =	strace $0x9FFFFFFF  }
0xc8: {  	(tm) =	ssettm $0x7FFFFFFF  }
0xc9: {  	_ =	shalt  }
tec
execute0_lowered:
.L_overlay_start_1:
0x0: {  	(tag) =	ssettag $0x1  }
0x1: {  	s1 =	srdreg.scid;
	s3 =	rddreg [dreg:$0x0]  }
0x2: {  	s0 =	stileid.u32;
	s4 =	rddreg [dreg:$0x1];
	s20 =	simm.s32 $0x1800  }
0x3: {  	s21 =	simm.s32 $0x100;
	s23 =	simm.s32 $0x2800;
	s24 =	simm.s32 $0x180  }
0x4: {  	s25 =	simm.s32 $0x3800;
	s26 =	simm.s32 $0x200;
	s7 =	simm.s32 $0x80  }
0x5: {  	s11 =	simm.s32 $0x300;
	s12 =	simm.s32 $0x6800;
	s13 =	simm.s32 $0x380  }
0x6: {  	s14 =	simm.s32 $0x7800;
	s15 =	simm.s32 $0x400;
	s16 =	simm.s32 $0x8800  }
0x7: {  	s17 =	simm.s32 $0x480;
	s18 =	simm.s32 $0x9800;
	s19 =	simm.s32 $0x500  }
0x8: {  	p0 =	por $0x0, $0x0;
	s1 =	sand.u32 $0x1, s1;
	s2 =	sshll.u32 s0, $0x1  }
0x9: {  	s28 =	simm.s32 $0x700;
	s5 =	sor.u32 s1, s2;
	s2 =	simm.s32 $0x0  }
0xa: {  	s29 =	simm.s32 $0xE800;
	s30 =	simm.s32 $0x780;
	[smem:$0x7FF] =	sst s2  }
0xb: {  	s31 =	simm.s32 $0xF800;
	_ =	strace $0x80000047;
	[dreg:$0x5] =	wrdreg s20  }
0xc: {  	s1 =	ssub.s32 $0x2, s1;
	s6 =	sshll.u32 s5, $0x8;
	[dreg:$0x6] =	wrdreg s21  }
0xd: {  	s5 =	sshll.u32 s5, $0xD;
	s22 =	sshrl.u32 s1, $0x1;
	[dreg:$0x7] =	wrdreg s23  }
0xe: {  	s6 =	sadd.s32 s6, s3;
	s1 =	ssub.s32 s1, s22;
	[dreg:$0x8] =	wrdreg s24  }
0xf: {  	s4 =	sadd.s32 s4, s5;
	[dreg:$0x9] =	wrdreg s25;
	s1 =	smax.u32 s1, $0x1  }
0x10: {  	[dreg:$0xa] =	wrdreg s26;
	s20 =	simm.s32 $0xA800;
	p1 =	sne.s32 s1, $0x1  }
.Ltmp0:
0x11: {  	s21 =	simm.s32 $0x580;
	s22 =	simm.s32 $0xB800;
	(pc) =	sbr.rel @!p1 .LBB2_3-.Ltmp0, $4  }
0x12: {  	s23 =	simm.s32 $0x600;
	s24 =	simm.s32 $0xC800;
	s25 =	simm.s32 $0x680  }
0x13: {  	s26 =	simm.s32 $0xD800;
	s6 =	sadd.s32 $0x4C00, s6;
	[dreg:$0x4] =	wrdreg s4  }
0x14: {  	s5 =	simm.s32 $0x1;
	s4 =	simm.s32 $0x800;
	[dreg:$0x3] =	wrdreg s6  }
0x15: {  	s6 =	sadd.s32 $0xC00, s3;
	s3 =	simm.s32 $0x2;
	s8 =	sadd.s32 $0xFFFFFFFF, s1  }
0x16: {  	s0 =	rddreg [dreg:$0x3]  }
0x17: {  	[tilespmem:s2], [sflag:$0x2] =	stream.linear.gather [hbm4b:s0+s2], $0x800, $0x38;
	[tilespmem:$0x10800] =	vst v63  }
0x18: {  	_ =	swait.ge [sflag:s3], $0x800  }
0x19: {  	s10 =	rddreg [dreg:$0x6]  }
0x1a: {  	s1 =	rddreg [dreg:$0x5]  }
0x1b: {  	s0 =	rddreg [dreg:$0x7]  }
0x1c: {  	[sflag:s3] =	ssyncset.done $0x0;
	[dreg:$0xb] =	wrdreg s10  }
0x1d: {  	[sflag:s3] =	ssyncadd.s32 $0xFFFFF800;
	s10 =	rddreg [dreg:$0x9]  }
0x1e: {  	[tilespmem:s4], [sflag:$0x1] =	stream.indirect.gather [hbm4b:s6+s7], $0x20, s2, s7, $0xb8;
	[tilespmem:$0x10800] =	vst v63  }
0x1f: {  	[dreg:$0xc] =	wrdreg s10  }
0x20: {  	s10 =	rddreg [dreg:$0xb]  }
0x21: {  	[tilespmem:s1], [sflag:$0x1] =	stream.indirect.gather [hbm4b:s6+s7], $0x20, s7, s7, $0xb8;
	[tilespmem:$0x10800] =	vst v63  }
0x22: {  	s1 =	rddreg [dreg:$0x8]  }
0x23: {  	[tilespmem:s0], [sflag:$0x1] =	stream.indirect.gather [hbm4b:s6+s7], $0x20, s10, s7, $0xb8;
	[tilespmem:$0x10800] =	vst v63  }
0x24: {  	s10 =	rddreg [dreg:$0xc]  }
0x25: {  	[tilespmem:s10], [sflag:$0x1] =	stream.indirect.gather [hbm4b:s6+s7], $0x20, s1, s7, $0xb8;
	[tilespmem:$0x10800] =	vst v63  }
0x26: {  	s9 =	simm.s32 $0x4800;
	s0 =	rddreg [dreg:$0xa]  }
0x27: {  	[tilespmem:s9], [sflag:$0x1] =	stream.indirect.gather [hbm4b:s6+s7], $0x20, s0, s7, $0xb8;
	[tilespmem:$0x10800] =	vst v63  }
0x28: {  	s1 =	simm.s32 $0x280;
	s9 =	simm.s32 $0x5800  }
0x29: {  	[tilespmem:s9], [sflag:$0x1] =	stream.indirect.gather [hbm4b:s6+s7], $0x20, s1, s7, $0xb8;
	[tilespmem:$0x10800] =	vst v63  }
0x2a: {  	_ = 	snop  }
0x2b: {  	[tilespmem:s12], [sflag:$0x1] =	stream.indirect.gather [hbm4b:s6+s7], $0x20, s11, s7, $0xb8;
	[tilespmem:$0x10800] =	vst v63  }
0x2c: {  	_ = 	snop  }
0x2d: {  	[tilespmem:s14], [sflag:$0x1] =	stream.indirect.gather [hbm4b:s6+s7], $0x20, s13, s7, $0xb8;
	[tilespmem:$0x10800] =	vst v63  }
0x2e: {  	_ = 	snop  }
0x2f: {  	[tilespmem:s16], [sflag:$0x1] =	stream.indirect.gather [hbm4b:s6+s7], $0x20, s15, s7, $0xb8;
	[tilespmem:$0x10800] =	vst v63  }
0x30: {  	_ = 	snop  }
0x31: {  	[tilespmem:s18], [sflag:$0x1] =	stream.indirect.gather [hbm4b:s6+s7], $0x20, s17, s7, $0xb8;
	[tilespmem:$0x10800] =	vst v63  }
0x32: {  	_ = 	snop  }
0x33: {  	[tilespmem:s20], [sflag:$0x1] =	stream.indirect.gather [hbm4b:s6+s7], $0x20, s19, s7, $0xb8;
	[tilespmem:$0x10800] =	vst v63  }
0x34: {  	_ = 	snop  }
0x35: {  	[tilespmem:s22], [sflag:$0x1] =	stream.indirect.gather [hbm4b:s6+s7], $0x20, s21, s7, $0xb8;
	[tilespmem:$0x10800] =	vst v63  }
0x36: {  	_ = 	snop  }
0x37: {  	[tilespmem:s24], [sflag:$0x1] =	stream.indirect.gather [hbm4b:s6+s7], $0x20, s23, s7, $0xb8;
	[tilespmem:$0x10800] =	vst v63  }
0x38: {  	_ = 	snop  }
0x39: {  	[tilespmem:s26], [sflag:$0x1] =	stream.indirect.gather [hbm4b:s6+s7], $0x20, s25, s7, $0xb8;
	[tilespmem:$0x10800] =	vst v63  }
0x3a: {  	_ = 	snop  }
0x3b: {  	[tilespmem:s29], [sflag:$0x1] =	stream.indirect.gather [hbm4b:s6+s7], $0x20, s28, s7, $0xb8;
	[tilespmem:$0x10800] =	vst v63  }
0x3c: {  	_ = 	snop  }
0x3d: {  	[tilespmem:s31], [sflag:$0x1] =	stream.indirect.gather [hbm4b:s6+s7], $0x20, s30, s7, $0xb8;
	[tilespmem:$0x10800] =	vst v63  }
0x3e: {  	_ =	swait.ge [sflag:s5], $0x1000  }
0x3f: {  	[sflag:s5] =	ssyncset.done $0x0  }
0x40: {  	[sflag:s5] =	ssyncadd.s32 $0xFFFFF000  }
0x41: {  	_ =	swait.ge [sflag:s5], $0x1000  }
0x42: {  	[sflag:s5] =	ssyncset.done $0x0  }
0x43: {  	[sflag:s5] =	ssyncadd.s32 $0xFFFFF000  }
0x44: {  	_ =	swait.ge [sflag:s5], $0x1000  }
0x45: {  	[sflag:s5] =	ssyncset.done $0x0  }
0x46: {  	[sflag:s5] =	ssyncadd.s32 $0xFFFFF000  }
0x47: {  	_ =	swait.ge [sflag:s5], $0x1000  }
0x48: {  	[sflag:s5] =	ssyncset.done $0x0  }
0x49: {  	[sflag:s5] =	ssyncadd.s32 $0xFFFFF000  }
0x4a: {  	_ =	swait.ge [sflag:s5], $0x1000  }
0x4b: {  	[sflag:s5] =	ssyncset.done $0x0  }
0x4c: {  	[sflag:s5] =	ssyncadd.s32 $0xFFFFF000  }
0x4d: {  	_ =	swait.ge [sflag:s5], $0x1000  }
0x4e: {  	[sflag:s5] =	ssyncset.done $0x0  }
0x4f: {  	[sflag:s5] =	ssyncadd.s32 $0xFFFFF000  }
0x50: {  	_ =	swait.ge [sflag:s5], $0x1000  }
0x51: {  	[sflag:s5] =	ssyncset.done $0x0  }
0x52: {  	[sflag:s5] =	ssyncadd.s32 $0xFFFFF000  }
0x53: {  	_ =	swait.ge [sflag:s5], $0x1000  }
0x54: {  	[sflag:s5] =	ssyncset.done $0x0  }
0x55: {  	[sflag:s5] =	ssyncadd.s32 $0xFFFFF000  }
0x56: {  	_ =	swait.ge [sflag:s5], $0x1000  }
0x57: {  	[sflag:s5] =	ssyncset.done $0x0  }
0x58: {  	[sflag:s5] =	ssyncadd.s32 $0xFFFFF000  }
0x59: {  	_ =	swait.ge [sflag:s5], $0x1000  }
0x5a: {  	[sflag:s5] =	ssyncset.done $0x0  }
0x5b: {  	[sflag:s5] =	ssyncadd.s32 $0xFFFFF000  }
0x5c: {  	_ =	swait.ge [sflag:s5], $0x1000  }
0x5d: {  	[sflag:s5] =	ssyncset.done $0x0  }
0x5e: {  	[sflag:s5] =	ssyncadd.s32 $0xFFFFF000  }
0x5f: {  	_ =	swait.ge [sflag:s5], $0x1000  }
0x60: {  	[sflag:s5] =	ssyncset.done $0x0  }
0x61: {  	[sflag:s5] =	ssyncadd.s32 $0xFFFFF000  }
0x62: {  	_ =	swait.ge [sflag:s5], $0x1000  }
0x63: {  	[sflag:s5] =	ssyncset.done $0x0  }
0x64: {  	[sflag:s5] =	ssyncadd.s32 $0xFFFFF000  }
0x65: {  	_ =	swait.ge [sflag:s5], $0x1000  }
0x66: {  	[sflag:s5] =	ssyncset.done $0x0  }
0x67: {  	[sflag:s5] =	ssyncadd.s32 $0xFFFFF000  }
0x68: {  	_ =	swait.ge [sflag:s5], $0x1000  }
0x69: {  	p1 =	sne.s32 s8, $0x1;
	[sflag:s5] =	ssyncset.done $0x0  }
.Ltmp1:
0x6a: {  	[sflag:s5] =	ssyncadd.s32 $0xFFFFF000;
	(pc) =	sbr.rel @!p1 .LBB2_3-.Ltmp1, $4  }
0x6b: {  	_ =	swait.ge [sflag:s5], $0x1000  }
0x6c: {  	p0 =	por $0x1, $0x1;
	[sflag:s5] =	ssyncset.done $0x0  }
0x6d: {  	s1 =	sadd.s32 $0xFFFFFFFF, s8;
	s10 =	rddreg [dreg:$0x4];
	[sflag:s5] =	ssyncadd.s32 $0xFFFFF000  }
0x6e: {  	[hbm4b:s10+s2] =	stream.linear.scatter [tilespmem:s4], [sflag:$0x2], $0x10000, $0x38;
	[tilespmem:$0x10800] =	vst v63  }
.LBB2_2:
0x6f: {  	_ =	swait.ge [sflag:s3], $0x10000  }
0x70: {  	[sflag:s3] =	ssyncset.done $0x0  }
0x71: {  	s0 =	rddreg [dreg:$0x3];
	[sflag:s3] =	ssyncadd.s32 $0xFFFF0000  }
0x72: {  	[tilespmem:s2], [sflag:$0x2] =	stream.linear.gather [hbm4b:s0+s2], $0x800, $0x38;
	[tilespmem:$0x10800] =	vst v63  }
0x73: {  	_ =	swait.ge [sflag:s3], $0x800  }
0x74: {  	s0 =	rddreg [dreg:$0x6];
	[sflag:s3] =	ssyncset.done $0x0  }
0x75: {  	s8 =	rddreg [dreg:$0x5];
	[sflag:s3] =	ssyncadd.s32 $0xFFFFF800  }
0x76: {  	[tilespmem:s4], [sflag:$0x1] =	stream.indirect.gather [hbm4b:s6+s7], $0x20, s2, s7, $0xb8;
	[tilespmem:$0x10800] =	vst v63  }
0x77: {  	s9 =	rddreg [dreg:$0x7]  }
0x78: {  	[tilespmem:s8], [sflag:$0x1] =	stream.indirect.gather [hbm4b:s6+s7], $0x20, s7, s7, $0xb8;
	[tilespmem:$0x10800] =	vst v63  }
0x79: {  	s10 =	rddreg [dreg:$0x9]  }
0x7a: {  	[tilespmem:s9], [sflag:$0x1] =	stream.indirect.gather [hbm4b:s6+s7], $0x20, s0, s7, $0xb8;
	[tilespmem:$0x10800] =	vst v63  }
0x7b: {  	s8 =	rddreg [dreg:$0x8]  }
0x7c: {  	[tilespmem:s10], [sflag:$0x1] =	stream.indirect.gather [hbm4b:s6+s7], $0x20, s8, s7, $0xb8;
	[tilespmem:$0x10800] =	vst v63  }
0x7d: {  	s0 =	rddreg [dreg:$0xa];
	s8 =	simm.s32 $0x4800  }
0x7e: {  	[tilespmem:s8], [sflag:$0x1] =	stream.indirect.gather [hbm4b:s6+s7], $0x20, s0, s7, $0xb8;
	[tilespmem:$0x10800] =	vst v63  }
0x7f: {  	s9 =	simm.s32 $0x280;
	s10 =	simm.s32 $0x5800  }
0x80: {  	[tilespmem:s10], [sflag:$0x1] =	stream.indirect.gather [hbm4b:s6+s7], $0x20, s9, s7, $0xb8;
	[tilespmem:$0x10800] =	vst v63  }
0x81: {  	_ = 	snop  }
0x82: {  	[tilespmem:s12], [sflag:$0x1] =	stream.indirect.gather [hbm4b:s6+s7], $0x20, s11, s7, $0xb8;
	[tilespmem:$0x10800] =	vst v63  }
0x83: {  	_ = 	snop  }
0x84: {  	[tilespmem:s14], [sflag:$0x1] =	stream.indirect.gather [hbm4b:s6+s7], $0x20, s13, s7, $0xb8;
	[tilespmem:$0x10800] =	vst v63  }
0x85: {  	_ = 	snop  }
0x86: {  	[tilespmem:s16], [sflag:$0x1] =	stream.indirect.gather [hbm4b:s6+s7], $0x20, s15, s7, $0xb8;
	[tilespmem:$0x10800] =	vst v63  }
0x87: {  	_ = 	snop  }
0x88: {  	[tilespmem:s18], [sflag:$0x1] =	stream.indirect.gather [hbm4b:s6+s7], $0x20, s17, s7, $0xb8;
	[tilespmem:$0x10800] =	vst v63  }
0x89: {  	_ = 	snop  }
0x8a: {  	[tilespmem:s20], [sflag:$0x1] =	stream.indirect.gather [hbm4b:s6+s7], $0x20, s19, s7, $0xb8;
	[tilespmem:$0x10800] =	vst v63  }
0x8b: {  	_ = 	snop  }
0x8c: {  	[tilespmem:s22], [sflag:$0x1] =	stream.indirect.gather [hbm4b:s6+s7], $0x20, s21, s7, $0xb8;
	[tilespmem:$0x10800] =	vst v63  }
0x8d: {  	_ = 	snop  }
0x8e: {  	[tilespmem:s24], [sflag:$0x1] =	stream.indirect.gather [hbm4b:s6+s7], $0x20, s23, s7, $0xb8;
	[tilespmem:$0x10800] =	vst v63  }
0x8f: {  	_ = 	snop  }
0x90: {  	[tilespmem:s26], [sflag:$0x1] =	stream.indirect.gather [hbm4b:s6+s7], $0x20, s25, s7, $0xb8;
	[tilespmem:$0x10800] =	vst v63  }
0x91: {  	_ = 	snop  }
0x92: {  	[tilespmem:s29], [sflag:$0x1] =	stream.indirect.gather [hbm4b:s6+s7], $0x20, s28, s7, $0xb8;
	[tilespmem:$0x10800] =	vst v63  }
0x93: {  	_ = 	snop  }
0x94: {  	[tilespmem:s31], [sflag:$0x1] =	stream.indirect.gather [hbm4b:s6+s7], $0x20, s30, s7, $0xb8;
	[tilespmem:$0x10800] =	vst v63  }
0x95: {  	_ =	swait.ge [sflag:s5], $0x1000  }
0x96: {  	[sflag:s5] =	ssyncset.done $0x0  }
0x97: {  	[sflag:s5] =	ssyncadd.s32 $0xFFFFF000  }
0x98: {  	_ =	swait.ge [sflag:s5], $0x1000  }
0x99: {  	[sflag:s5] =	ssyncset.done $0x0  }
0x9a: {  	[sflag:s5] =	ssyncadd.s32 $0xFFFFF000  }
0x9b: {  	_ =	swait.ge [sflag:s5], $0x1000  }
0x9c: {  	[sflag:s5] =	ssyncset.done $0x0  }
0x9d: {  	[sflag:s5] =	ssyncadd.s32 $0xFFFFF000  }
0x9e: {  	_ =	swait.ge [sflag:s5], $0x1000  }
0x9f: {  	[sflag:s5] =	ssyncset.done $0x0  }
0xa0: {  	[sflag:s5] =	ssyncadd.s32 $0xFFFFF000  }
0xa1: {  	_ =	swait.ge [sflag:s5], $0x1000  }
0xa2: {  	[sflag:s5] =	ssyncset.done $0x0  }
0xa3: {  	[sflag:s5] =	ssyncadd.s32 $0xFFFFF000  }
0xa4: {  	_ =	swait.ge [sflag:s5], $0x1000  }
0xa5: {  	[sflag:s5] =	ssyncset.done $0x0  }
0xa6: {  	[sflag:s5] =	ssyncadd.s32 $0xFFFFF000  }
0xa7: {  	_ =	swait.ge [sflag:s5], $0x1000  }
0xa8: {  	[sflag:s5] =	ssyncset.done $0x0  }
0xa9: {  	[sflag:s5] =	ssyncadd.s32 $0xFFFFF000  }
0xaa: {  	_ =	swait.ge [sflag:s5], $0x1000  }
0xab: {  	[sflag:s5] =	ssyncset.done $0x0  }
0xac: {  	[sflag:s5] =	ssyncadd.s32 $0xFFFFF000  }
0xad: {  	_ =	swait.ge [sflag:s5], $0x1000  }
0xae: {  	[sflag:s5] =	ssyncset.done $0x0  }
0xaf: {  	[sflag:s5] =	ssyncadd.s32 $0xFFFFF000  }
0xb0: {  	_ =	swait.ge [sflag:s5], $0x1000  }
0xb1: {  	[sflag:s5] =	ssyncset.done $0x0  }
0xb2: {  	[sflag:s5] =	ssyncadd.s32 $0xFFFFF000  }
0xb3: {  	_ =	swait.ge [sflag:s5], $0x1000  }
0xb4: {  	[sflag:s5] =	ssyncset.done $0x0  }
0xb5: {  	[sflag:s5] =	ssyncadd.s32 $0xFFFFF000  }
0xb6: {  	_ =	swait.ge [sflag:s5], $0x1000  }
0xb7: {  	[sflag:s5] =	ssyncset.done $0x0  }
0xb8: {  	[sflag:s5] =	ssyncadd.s32 $0xFFFFF000  }
0xb9: {  	_ =	swait.ge [sflag:s5], $0x1000  }
0xba: {  	[sflag:s5] =	ssyncset.done $0x0  }
0xbb: {  	[sflag:s5] =	ssyncadd.s32 $0xFFFFF000  }
0xbc: {  	_ =	swait.ge [sflag:s5], $0x1000  }
0xbd: {  	[sflag:s5] =	ssyncset.done $0x0  }
0xbe: {  	[sflag:s5] =	ssyncadd.s32 $0xFFFFF000  }
0xbf: {  	_ =	swait.ge [sflag:s5], $0x1000  }
0xc0: {  	p1 =	sne.s32 s1, $0x1;
	[sflag:s5] =	ssyncset.done $0x0  }
.Ltmp2:
0xc1: {  	[sflag:s5] =	ssyncadd.s32 $0xFFFFF000;
	(pc) =	sbr.rel @p1 .LBB2_2-.Ltmp2, $4  }
0xc2: {  	_ =	swait.ge [sflag:s5], $0x1000  }
0xc3: {  	[sflag:s5] =	ssyncset.done $0x0  }
0xc4: {  	s1 =	sadd.s32 $0xFFFFFFFF, s1;
	s10 =	rddreg [dreg:$0x4];
	[sflag:s5] =	ssyncadd.s32 $0xFFFFF000  }
0xc5: {  	[hbm4b:s10+s2] =	stream.linear.scatter [tilespmem:s4], [sflag:$0x2], $0x10000, $0x38;
	[tilespmem:$0x10800] =	vst v63  }
.LBB2_3:
0xc6: {  	_ =	swait.ge @p0 [sflag:s3], $0x10000  }
0xc7: {  	[sflag:s3] =	ssyncset.done @p0 $0x0  }
0xc8: {  	s0 =	rddreg [dreg:$0x3];
	[sflag:s3] =	ssyncadd.s32 @p0 $0xFFFF0000  }
0xc9: {  	[tilespmem:s2], [sflag:$0x2] =	stream.linear.gather [hbm4b:s0+s2], $0x800, $0x38;
	[tilespmem:$0x10800] =	vst v63  }
0xca: {  	_ =	swait.ge [sflag:s3], $0x800  }
0xcb: {  	[sflag:s3] =	ssyncset.done $0x0;
	s10 =	rddreg [dreg:$0x5]  }
0xcc: {  	s0 =	rddreg [dreg:$0x6];
	[sflag:s3] =	ssyncadd.s32 $0xFFFFF800  }
0xcd: {  	[tilespmem:s4], [sflag:$0x1] =	stream.indirect.gather [hbm4b:s6+s7], $0x20, s2, s7, $0xb8;
	[tilespmem:$0x10800] =	vst v63  }
0xce: {  	s1 =	rddreg [dreg:$0x7]  }
0xcf: {  	[tilespmem:s10], [sflag:$0x1] =	stream.indirect.gather [hbm4b:s6+s7], $0x20, s7, s7, $0xb8;
	[tilespmem:$0x10800] =	vst v63  }
0xd0: {  	s8 =	rddreg [dreg:$0x9]  }
0xd1: {  	[tilespmem:s1], [sflag:$0x1] =	stream.indirect.gather [hbm4b:s6+s7], $0x20, s0, s7, $0xb8;
	[tilespmem:$0x10800] =	vst v63  }
0xd2: {  	s9 =	rddreg [dreg:$0x8]  }
0xd3: {  	[tilespmem:s8], [sflag:$0x1] =	stream.indirect.gather [hbm4b:s6+s7], $0x20, s9, s7, $0xb8;
	[tilespmem:$0x10800] =	vst v63  }
0xd4: {  	s10 =	simm.s32 $0x4800;
	s1 =	rddreg [dreg:$0xa]  }
0xd5: {  	[tilespmem:s10], [sflag:$0x1] =	stream.indirect.gather [hbm4b:s6+s7], $0x20, s1, s7, $0xb8;
	[tilespmem:$0x10800] =	vst v63  }
0xd6: {  	s9 =	simm.s32 $0x5800;
	s10 =	simm.s32 $0x280  }
0xd7: {  	[tilespmem:s9], [sflag:$0x1] =	stream.indirect.gather [hbm4b:s6+s7], $0x20, s10, s7, $0xb8;
	[tilespmem:$0x10800] =	vst v63  }
0xd8: {  	_ = 	snop  }
0xd9: {  	[tilespmem:s12], [sflag:$0x1] =	stream.indirect.gather [hbm4b:s6+s7], $0x20, s11, s7, $0xb8;
	[tilespmem:$0x10800] =	vst v63  }
0xda: {  	_ = 	snop  }
0xdb: {  	[tilespmem:s14], [sflag:$0x1] =	stream.indirect.gather [hbm4b:s6+s7], $0x20, s13, s7, $0xb8;
	[tilespmem:$0x10800] =	vst v63  }
0xdc: {  	_ = 	snop  }
0xdd: {  	[tilespmem:s16], [sflag:$0x1] =	stream.indirect.gather [hbm4b:s6+s7], $0x20, s15, s7, $0xb8;
	[tilespmem:$0x10800] =	vst v63  }
0xde: {  	_ = 	snop  }
0xdf: {  	[tilespmem:s18], [sflag:$0x1] =	stream.indirect.gather [hbm4b:s6+s7], $0x20, s17, s7, $0xb8;
	[tilespmem:$0x10800] =	vst v63  }
0xe0: {  	_ = 	snop  }
0xe1: {  	[tilespmem:s20], [sflag:$0x1] =	stream.indirect.gather [hbm4b:s6+s7], $0x20, s19, s7, $0xb8;
	[tilespmem:$0x10800] =	vst v63  }
0xe2: {  	_ = 	snop  }
0xe3: {  	[tilespmem:s22], [sflag:$0x1] =	stream.indirect.gather [hbm4b:s6+s7], $0x20, s21, s7, $0xb8;
	[tilespmem:$0x10800] =	vst v63  }
0xe4: {  	_ = 	snop  }
0xe5: {  	[tilespmem:s24], [sflag:$0x1] =	stream.indirect.gather [hbm4b:s6+s7], $0x20, s23, s7, $0xb8;
	[tilespmem:$0x10800] =	vst v63  }
0xe6: {  	_ = 	snop  }
0xe7: {  	[tilespmem:s26], [sflag:$0x1] =	stream.indirect.gather [hbm4b:s6+s7], $0x20, s25, s7, $0xb8;
	[tilespmem:$0x10800] =	vst v63  }
0xe8: {  	_ = 	snop  }
0xe9: {  	[tilespmem:s29], [sflag:$0x1] =	stream.indirect.gather [hbm4b:s6+s7], $0x20, s28, s7, $0xb8;
	[tilespmem:$0x10800] =	vst v63  }
0xea: {  	_ = 	snop  }
0xeb: {  	[tilespmem:s31], [sflag:$0x1] =	stream.indirect.gather [hbm4b:s6+s7], $0x20, s30, s7, $0xb8;
	[tilespmem:$0x10800] =	vst v63  }
0xec: {  	_ =	swait.ge [sflag:s5], $0x1000  }
0xed: {  	[sflag:s5] =	ssyncset.done $0x0  }
0xee: {  	[sflag:s5] =	ssyncadd.s32 $0xFFFFF000  }
0xef: {  	_ =	swait.ge [sflag:s5], $0x1000  }
0xf0: {  	[sflag:s5] =	ssyncset.done $0x0  }
0xf1: {  	[sflag:s5] =	ssyncadd.s32 $0xFFFFF000  }
0xf2: {  	_ =	swait.ge [sflag:s5], $0x1000  }
0xf3: {  	[sflag:s5] =	ssyncset.done $0x0  }
0xf4: {  	[sflag:s5] =	ssyncadd.s32 $0xFFFFF000  }
0xf5: {  	_ =	swait.ge [sflag:s5], $0x1000  }
0xf6: {  	[sflag:s5] =	ssyncset.done $0x0  }
0xf7: {  	[sflag:s5] =	ssyncadd.s32 $0xFFFFF000  }
0xf8: {  	_ =	swait.ge [sflag:s5], $0x1000  }
0xf9: {  	[sflag:s5] =	ssyncset.done $0x0  }
0xfa: {  	[sflag:s5] =	ssyncadd.s32 $0xFFFFF000  }
0xfb: {  	_ =	swait.ge [sflag:s5], $0x1000  }
0xfc: {  	[sflag:s5] =	ssyncset.done $0x0  }
0xfd: {  	[sflag:s5] =	ssyncadd.s32 $0xFFFFF000  }
0xfe: {  	_ =	swait.ge [sflag:s5], $0x1000  }
0xff: {  	[sflag:s5] =	ssyncset.done $0x0  }
0x100: {  	[sflag:s5] =	ssyncadd.s32 $0xFFFFF000  }
0x101: {  	_ =	swait.ge [sflag:s5], $0x1000  }
0x102: {  	[sflag:s5] =	ssyncset.done $0x0  }
0x103: {  	[sflag:s5] =	ssyncadd.s32 $0xFFFFF000  }
0x104: {  	_ =	swait.ge [sflag:s5], $0x1000  }
0x105: {  	[sflag:s5] =	ssyncset.done $0x0  }
0x106: {  	[sflag:s5] =	ssyncadd.s32 $0xFFFFF000  }
0x107: {  	_ =	swait.ge [sflag:s5], $0x1000  }
0x108: {  	[sflag:s5] =	ssyncset.done $0x0  }
0x109: {  	[sflag:s5] =	ssyncadd.s32 $0xFFFFF000  }
0x10a: {  	_ =	swait.ge [sflag:s5], $0x1000  }
0x10b: {  	[sflag:s5] =	ssyncset.done $0x0  }
0x10c: {  	[sflag:s5] =	ssyncadd.s32 $0xFFFFF000  }
0x10d: {  	_ =	swait.ge [sflag:s5], $0x1000  }
0x10e: {  	[sflag:s5] =	ssyncset.done $0x0  }
0x10f: {  	[sflag:s5] =	ssyncadd.s32 $0xFFFFF000  }
0x110: {  	_ =	swait.ge [sflag:s5], $0x1000  }
0x111: {  	[sflag:s5] =	ssyncset.done $0x0  }
0x112: {  	[sflag:s5] =	ssyncadd.s32 $0xFFFFF000  }
0x113: {  	_ =	swait.ge [sflag:s5], $0x1000  }
0x114: {  	[sflag:s5] =	ssyncset.done $0x0  }
0x115: {  	[sflag:s5] =	ssyncadd.s32 $0xFFFFF000  }
0x116: {  	_ =	swait.ge [sflag:s5], $0x1000  }
0x117: {  	[sflag:s5] =	ssyncset.done $0x0  }
0x118: {  	[sflag:s5] =	ssyncadd.s32 $0xFFFFF000  }
0x119: {  	_ =	swait.ge [sflag:s5], $0x1000  }
0x11a: {  	[sflag:s5] =	ssyncset.done $0x0  }
0x11b: {  	s30 =	rddreg [dreg:$0x4];
	[sflag:s5] =	ssyncadd.s32 $0xFFFFF000  }
0x11c: {  	[hbm4b:s30+s2] =	stream.linear.scatter [tilespmem:s4], [sflag:$0x2], $0x10000, $0x38;
	[tilespmem:$0x10800] =	vst v63  }
0x11d: {  	_ =	swait.ge [sflag:s3], $0x10000  }
0x11e: {  	[sflag:s3] =	ssyncset.done $0x0  }
0x11f: {  	[sflag:s3] =	ssyncadd.s32 $0xFFFF0000  }
0x120: {  	_ =	sfence.sel $0x180000  }
0x121: {  	[bflag:$0x0] =	sbarrier.arrive $0xFFFF  }
0x122: {  	_ =	strace $0x90000047  }
0x123: {  	s31 =	stileid.u32;
	[bflag:$0x2] =	sbarrier.arrive $0xFFFF  }
0x124: {  	p0 =	sne.s32 s31, $0x0;
	s0 =	rddreg [dreg:$0x2]  }
0x125: {  	s0 =	sadd.s32 @!p0 $0x100000, s0  }
0x126: {  	[sflag:s0] =	ssyncadd.tile.s32 @!p0 $0x1;
	_ =	shalt  }
.Lfunc_end2:
_tile_overlayer_lowered:
.L_overlay_start_2:
0x127: {  	(tag) =	ssettag $0x2  }
0x128: {  	s0 =	rddreg [dreg:$0x0];
	s2 =	stileid.u32  }
0x129: {  	s1 =	rddreg [dreg:$0x1];
	p0 =	sne.s32 s2, $0x0  }
0x12a: {  	s3 =	rddreg [dreg:$0x2];
	[bflag:$0x3] =	sbarrier.arrive $0xFFFF;
	s2 =	simm.s32 @!p0 $0x1C02  }
0x12b: {  	[timem:s3], [sflag:s2] =	dma.local @!p0 [hbm:s0], s1  }
0x12c: {  	s0 =	simm.s32 @!p0 $0x2  }
0x12d: {  	_ =	swait.ge @!p0 [sflag:s0], s1  }
0x12e: {  	s1 =	ssub.s32 @!p0 $0x0, s1;
	[sflag:s0] =	ssyncset.done @!p0 $0x0  }
0x12f: {  	[sflag:s0] =	ssyncadd.s32 @!p0 s1  }
0x130: {  	[bflag:$0x3] =	sbarrier.arrive $0xFFFF  }
0x131: {  	_ =	shalt  }

</sc_bundles>
